<compile_context>
chip_gen: v7x
topology: tpu7x:2x2x1
jax: 0.10.2.dev20260603
libtpu: 0.0.44.dev20260713+nightly
codegen_flags: <defaults>
</compile_context>

<pallas_src>
import jax
import jax.numpy as jnp
import numpy as np
from jax import lax
from jax.experimental import pallas as pl
from jax.experimental.pallas import tpu as pltpu
from jax.experimental.pallas import tpu_sc as plsc

_SPACE_DIMS = 3
_B = 16
_ROW_LEN = 2048
_N = _B * _ROW_LEN
_HALF = _ROW_LEN // 2
_CHUNKS = _HALF // 16

_THRESH_DEG = 1.0


def _deg2dist(deg):
    return 2.0 * np.sin(np.radians(deg) / 2.0)


_THRESH_S2_MIN = float(_deg2dist(10.0 / 3600.0) ** 2)
_THRESH_S2_MAX = float(_deg2dist(_THRESH_DEG) ** 2)
_LOG_THRESH_S2_RANGE = float(np.log(_THRESH_S2_MAX / _THRESH_S2_MIN))
_THRESH_HIT_PROB_POST = 0.95

_LN2 = np.float32(0.6931471805599453)
_F = jnp.float32


def _approx_sqrt(v):
    vc = jnp.maximum(v, _F(1e-20))
    i = lax.bitcast_convert_type(vc, jnp.int32)
    i = jnp.int32(0x5F3759DF) - lax.shift_right_arithmetic(i, 1)
    y = lax.bitcast_convert_type(i, jnp.float32)
    for _ in range(2):
        y = y * (_F(1.5) - _F(0.5) * vc * y * y)
    return vc * y


def _approx_log(x):
    i = lax.bitcast_convert_type(x, jnp.int32)
    e = lax.shift_right_arithmetic(i, 23) - jnp.int32(127)
    mi = jnp.bitwise_or(jnp.bitwise_and(i, jnp.int32(0x007FFFFF)),
                        jnp.int32(0x3F800000))
    m = lax.bitcast_convert_type(mi, jnp.float32)
    big = m > _F(1.4142135)
    m = jnp.where(big, m * _F(0.5), m)
    e = jnp.where(big, e + 1, e)
    s = (m - _F(1.0)) / (m + _F(1.0))
    s2 = s * s
    poly = _F(1.0) + s2 * (_F(1.0 / 3.0) + s2 * (_F(0.2) + s2 * _F(1.0 / 7.0)))
    return e.astype(jnp.float32) * _LN2 + _F(2.0) * s * poly


def _splat(vec16, idx):
    return vec16[jnp.full((16,), idx, dtype=jnp.int32)]


def _lanesum(x):
    lane = jax.lax.iota(jnp.int32, 16)
    for sh in (8, 4, 2, 1):
        x = x + x[jnp.bitwise_and(lane + sh, 15)]
    return x


def _sc_body(x_hbm, h_hbm, lam_hbm, ts_hbm, parts_hbm,
             vin, vh, vlam, vts, vstage, sem):
    c = lax.axis_index("c")
    s = lax.axis_index("s")
    w = c * 16 + s
    seg = c * 8 + lax.div(s, 2)

    slab = pltpu.async_copy(x_hbm.at[w], vin, sem)
    pltpu.sync_copy(h_hbm, vh)
    pltpu.sync_copy(lam_hbm, vlam)
    pltpu.sync_copy(ts_hbm, vts)

    h16 = vh[...]
    lam16 = vlam[...]
    ts16 = vts[...]
    t16 = _F(_THRESH_S2_MIN) * jnp.exp(ts16 * _F(_LOG_THRESH_S2_RANGE))
    a16 = h16 * lam16 / (_F(1.0) - jnp.exp(-lam16))
    thr = _splat(t16, seg)
    inv_thr = _F(1.0) / thr
    lam_b = _splat(lam16, seg)
    a_b = _splat(a16, seg)
    c_b = _F(1.0) - _splat(h16, seg)
    slab.wait()

    zeros = jnp.zeros((16,), jnp.float32)

    @plsc.parallel_loop(0, _CHUNKS, unroll=8,
                        carry=(zeros, zeros, zeros, zeros, zeros))
    def acc(i, carry):
        cnt, ll, lw, den, ht = carry
        off = i * 16
        px = vin[0, pl.ds(off, 16)]
        py = vin[1, pl.ds(off, 16)]
        pz = vin[2, pl.ds(off, 16)]
        ox = vin[3, pl.ds(off, 16)]
        oy = vin[4, pl.ds(off, 16)]
        oz = vin[5, pl.ds(off, 16)]
        dx = px - ox
        dy = py - oy
        dz = pz - oz
        s2 = dx * dx + dy * dy + dz * dz
        close = s2 < thr
        v = s2 * inv_thr
        obs_w = jnp.where(close, jnp.exp(_F(-2.0) * _approx_sqrt(v)), _F(0.0))
        p_hit = a_b * jnp.exp(-lam_b * v)
        p = p_hit + c_b
        log_p = jnp.where(close, _approx_log(p), _F(0.0))
        php = p_hit / p
        phf = jnp.where(jnp.logical_and(close, php > _F(_THRESH_HIT_PROB_POST)),
                        php, _F(0.0))
        return (cnt + jnp.where(close, _F(1.0), _F(0.0)),
                ll + log_p,
                lw + log_p * obs_w,
                den + obs_w,
                ht + phf)

    cnt, ll, lw, den, ht = acc

    lane = jax.lax.iota(jnp.int32, 16)
    stage = jnp.zeros((16,), jnp.float32)
    stage = jnp.where(lane == 0, _lanesum(cnt), stage)
    stage = jnp.where(lane == 1, _lanesum(ll), stage)
    stage = jnp.where(lane == 2, _lanesum(lw), stage)
    stage = jnp.where(lane == 3, _lanesum(den), stage)
    stage = jnp.where(lane == 4, _lanesum(ht), stage)
    vstage[...] = stage
    pltpu.sync_copy(vstage, parts_hbm.at[w])


def _combine_body(parts_ref, ll_ref, lw_ref, ht_ref, cnt_ref):
    p = parts_ref[...]
    sums = p.reshape(_B, 2, 16).sum(axis=1)
    cnt = sums[:, 0]
    ll = sums[:, 1]
    lw_num = sums[:, 2]
    den = sums[:, 3]
    ht = sums[:, 4]
    ll_ref[...] = ll
    lw_ref[...] = cnt * lw_num / den
    ht_ref[...] = ht
    cnt_ref[...] = cnt.astype(jnp.int32)


@jax.jit
def _run(x, h, lam, ts):
    f32 = jnp.float32
    mesh = plsc.VectorSubcoreMesh(core_axis_name="c", subcore_axis_name="s")
    parts = pl.kernel(
        _sc_body,
        out_type=jax.ShapeDtypeStruct((32, 16), f32),
        mesh=mesh,
        scratch_types=[
            pltpu.VMEM((6, _HALF), f32),
            pltpu.VMEM((16,), f32),
            pltpu.VMEM((16,), f32),
            pltpu.VMEM((16,), f32),
            pltpu.VMEM((16,), f32),
            pltpu.SemaphoreType.DMA,
        ],
    )(x, h, lam, ts)
    return pl.pallas_call(
        _combine_body,
        out_shape=(
            jax.ShapeDtypeStruct((_B,), f32),
            jax.ShapeDtypeStruct((_B,), f32),
            jax.ShapeDtypeStruct((_B,), f32),
            jax.ShapeDtypeStruct((_B,), jnp.int32),
        ),
    )(parts)


def kernel(u_pred, u_obs, h, lam, thresh_s2_, row_lengths):
    del row_lengths
    x = jnp.concatenate([u_pred.T, u_obs.T], axis=0)
    x = x.reshape(6, 32, _HALF).transpose(1, 0, 2)
    ll, lw, ht, cnt = _run(x, h, lam, thresh_s2_)
    return (ll, lw, ht, cnt)

# --- scband reference (transcript-rebuilt; emitter-appended) ---
"""Pipeline reference for scband-trajectory-score-5368709120177 (READ-ONLY COPY).

The authoritative reference and input builder live on the scoring server;
editing this copy changes nothing except your own understanding.
"""

import jax, jax.numpy as jnp
import numpy as np

SPACE_DIMS = 3
B = 16
ROW_LEN = 2048
N = B * ROW_LEN
THRESH_DEG = 1.0

def deg2dist(deg):
    return 2.0 * np.sin(np.radians(deg) / 2.0)

THRESH_S2_MIN = float(deg2dist(10.0 / 3600.0) ** 2)
THRESH_S2_MAX = float(deg2dist(THRESH_DEG) ** 2)
LOG_THRESH_S2_RANGE = float(np.log(THRESH_S2_MAX / THRESH_S2_MIN))
THRESH_HIT_PROB_POST = 0.95

def setup_inputs(seed: int = 0):
    key = jax.random.key(seed)
    k1, k2, k3, k4 = jax.random.split(key, 4)
    u_obs = jax.random.normal(k1, (N, SPACE_DIMS), dtype=jnp.float32)
    u_obs = u_obs / jnp.linalg.norm(u_obs, axis=-1, keepdims=True)
    u_pred = u_obs + 0.004 * jax.random.normal(k2, (N, SPACE_DIMS), dtype=jnp.float32)
    h = jax.random.uniform(k3, (B,), dtype=jnp.float32, minval=0.1, maxval=0.9)
    lam = jax.random.uniform(k4, (B,), dtype=jnp.float32, minval=0.5, maxval=8.0)
    thresh_s2_ = jnp.ones((B,), dtype=jnp.float32)
    row_lengths = jnp.full((B,), ROW_LEN, dtype=jnp.int32)
    return {"u_pred": u_pred, "u_obs": u_obs, "h": h, "lam": lam, "thresh_s2_": thresh_s2_, "row_lengths": row_lengths}

def reference(u_pred, u_obs, h, lam, thresh_s2_, row_lengths):
    n = u_pred.shape[0]
    b = h.shape[0]
    seg = jnp.repeat(jnp.arange(b), row_lengths, total_repeat_length=n)
    thresh_s2_elt = THRESH_S2_MIN * jnp.exp(thresh_s2_ * LOG_THRESH_S2_RANGE)
    thresh_s2 = jnp.repeat(thresh_s2_elt, row_lengths, total_repeat_length=n)
    du = u_pred - u_obs
    s2 = jnp.sum(jnp.square(du), axis=-1)
    is_close = s2 < thresh_s2
    v = s2 / thresh_s2
    obs_weight = jnp.where(is_close, jnp.exp(-2.0 * jnp.sqrt(v)), 0.0)
    h_vec = h[seg]
    lam_vec = lam[seg]
    emlx = jnp.exp(-lam_vec * v)
    p_hit_cond = emlx * lam_vec / (1.0 - jnp.exp(-lam_vec))
    p_hit = h_vec * p_hit_cond
    p = p_hit + (1.0 - h_vec)
    log_p = jnp.where(is_close, jnp.log(p), 0.0)
    log_p_wtd = log_p * obs_weight
    p_hit_post = p_hit / p
    is_real_hit = jnp.logical_and(is_close, p_hit_post > THRESH_HIT_PROB_POST)
    p_hit_filtered = jnp.where(is_real_hit, p_hit_post, 0.0)
    row_lengths_close = jax.ops.segment_sum(is_close.astype(jnp.int32), seg, num_segments=b)
    log_like = jax.ops.segment_sum(log_p, seg, num_segments=b)
    log_like_wtd_by_elt = jax.ops.segment_sum(log_p_wtd, seg, num_segments=b)
    log_like_wtd_den = jax.ops.segment_sum(obs_weight, seg, num_segments=b)
    log_like_wtd = row_lengths_close.astype(jnp.float32) * log_like_wtd_by_elt / log_like_wtd_den
    hits = jax.ops.segment_sum(p_hit_filtered, seg, num_segments=b)
    return (log_like, log_like_wtd, hits, row_lengths_close)

if __name__ == "__main__":
    import jax
    _d = setup_inputs()
    print(jax.jit(kernel)(*tuple(_d.values())))

</pallas_src>

<mosaic_0001>
#map = affine_map<(d0, d1) -> (0, 0, 0)>
#map1 = affine_map<(d0, d1) -> (0)>
#map2 = affine_map<(d0, d1) -> (0, 0)>
module attributes {stable_mosaic.version = 14 : i64} {
  func.func @_sc_body(%arg0: i32, %arg1: i32, %arg2: memref<32x6x1024xf32, #tpu.memory_space<hbm>>, %arg3: memref<16xf32, #tpu.memory_space<hbm>>, %arg4: memref<16xf32, #tpu.memory_space<hbm>>, %arg5: memref<16xf32, #tpu.memory_space<hbm>>, %arg6: memref<32x16xf32, #tpu.memory_space<hbm>>, %arg7: memref<6x1024xf32, #tpu.memory_space<vmem>>, %arg8: memref<16xf32, #tpu.memory_space<vmem>>, %arg9: memref<16xf32, #tpu.memory_space<vmem>>, %arg10: memref<16xf32, #tpu.memory_space<vmem>>, %arg11: memref<16xf32, #tpu.memory_space<vmem>>, %arg12: memref<!tpu.dma_semaphore, #tpu.memory_space<semaphore_mem>>) attributes {dimension_semantics = [#tpu.dimension_semantics<core_parallel>, #tpu.dimension_semantics<subcore_parallel>], iteration_bounds = array<i64: 2, 16>, scalar_prefetch = 0 : i64, scratch_operands = 6 : i64, tpu.core_type = #tpu.core_type<sc_vector_subcore>, window_params = [{transform_indices = #map}, {transform_indices = #map1}, {transform_indices = #map1}, {transform_indices = #map1}, {transform_indices = #map2}]} {
    %mul3A = arith.constant 16 : i32
    %mul3A_0 = arith.muli %arg0, %mul3A : i32
    %add3A = arith.addi %mul3A_0, %arg1 : i32
    %mul3A_1 = arith.constant 8 : i32
    %mul3A_2 = arith.muli %arg0, %mul3A_1 : i32
    %div3A = arith.constant 2 : i32
    %div3A_3 = arith.divsi %arg1, %div3A : i32
    %add3A_4 = arith.addi %mul3A_2, %div3A_3 : i32
    %dma_start3A = arith.constant 0 : i32
    %dma_start3A_5 = arith.constant 0 : i32
    %dma_start3A_6 = tpu.memref_slice %arg2[%add3A, %dma_start3A, %dma_start3A_5] : memref<32x6x1024xf32, #tpu.memory_space<hbm>> -> memref<1x6x1024xf32, #tpu.memory_space<hbm>>
    %dma_start3A_7 = tpu.memref_squeeze %dma_start3A_6 : memref<1x6x1024xf32, #tpu.memory_space<hbm>> -> memref<6x1024xf32, #tpu.memory_space<hbm>>
    %dma_start3A_8 = arith.constant 0 : i32
    %dma_start3A_9 = arith.constant 0 : i32
    %dma_start3A_10 = tpu.memref_slice %arg2[%add3A, %dma_start3A_8, %dma_start3A_9] : memref<32x6x1024xf32, #tpu.memory_space<hbm>> -> memref<1x6x1024xf32, #tpu.memory_space<hbm>>
    %dma_start3A_11 = tpu.memref_squeeze %dma_start3A_10 : memref<1x6x1024xf32, #tpu.memory_space<hbm>> -> memref<6x1024xf32, #tpu.memory_space<hbm>>
    tpu.enqueue_dma source(%dma_start3A_11 : memref<6x1024xf32, #tpu.memory_space<hbm>>) target(%arg7 : memref<6x1024xf32, #tpu.memory_space<vmem>>) target_semaphore(%arg12 : memref<!tpu.dma_semaphore, #tpu.memory_space<semaphore_mem>>)
    "tpu.region"() ({
      %run_scoped3A = tpu.sem_alloc : memref<!tpu.dma_semaphore, #tpu.memory_space<semaphore_mem>>
      tpu.enqueue_dma source(%arg3 : memref<16xf32, #tpu.memory_space<hbm>>) target(%arg8 : memref<16xf32, #tpu.memory_space<vmem>>) target_semaphore(%run_scoped3A : memref<!tpu.dma_semaphore, #tpu.memory_space<semaphore_mem>>)
      tpu.wait_dma2 semaphore(%run_scoped3A : memref<!tpu.dma_semaphore, #tpu.memory_space<semaphore_mem>>) src(%arg3 : memref<16xf32, #tpu.memory_space<hbm>>) dst(%arg8 : memref<16xf32, #tpu.memory_space<vmem>>)
      tpu.yield
    }) : () -> ()
    "tpu.region"() ({
      %run_scoped3A = tpu.sem_alloc : memref<!tpu.dma_semaphore, #tpu.memory_space<semaphore_mem>>
      tpu.enqueue_dma source(%arg4 : memref<16xf32, #tpu.memory_space<hbm>>) target(%arg9 : memref<16xf32, #tpu.memory_space<vmem>>) target_semaphore(%run_scoped3A : memref<!tpu.dma_semaphore, #tpu.memory_space<semaphore_mem>>)
      tpu.wait_dma2 semaphore(%run_scoped3A : memref<!tpu.dma_semaphore, #tpu.memory_space<semaphore_mem>>) src(%arg4 : memref<16xf32, #tpu.memory_space<hbm>>) dst(%arg9 : memref<16xf32, #tpu.memory_space<vmem>>)
      tpu.yield
    }) : () -> ()
    "tpu.region"() ({
      %run_scoped3A = tpu.sem_alloc : memref<!tpu.dma_semaphore, #tpu.memory_space<semaphore_mem>>
      tpu.enqueue_dma source(%arg5 : memref<16xf32, #tpu.memory_space<hbm>>) target(%arg10 : memref<16xf32, #tpu.memory_space<vmem>>) target_semaphore(%run_scoped3A : memref<!tpu.dma_semaphore, #tpu.memory_space<semaphore_mem>>)
      tpu.wait_dma2 semaphore(%run_scoped3A : memref<!tpu.dma_semaphore, #tpu.memory_space<semaphore_mem>>) src(%arg5 : memref<16xf32, #tpu.memory_space<hbm>>) dst(%arg10 : memref<16xf32, #tpu.memory_space<vmem>>)
      tpu.yield
    }) : () -> ()
    %get3A = arith.constant 0 : index
    %get3A_12 = tpu.vector_load %arg8[%get3A] {strides = array<i32>} : memref<16xf32, #tpu.memory_space<vmem>>, vector<16xf32>,
    %get3A_13 = vector.shape_cast %get3A_12 : vector<16xf32> to vector<16xf32>
    %get3A_14 = arith.constant 0 : index
    %get3A_15 = tpu.vector_load %arg9[%get3A_14] {strides = array<i32>} : memref<16xf32, #tpu.memory_space<vmem>>, vector<16xf32>,
    %get3A_16 = vector.shape_cast %get3A_15 : vector<16xf32> to vector<16xf32>
    %get3A_17 = arith.constant 0 : index
    %get3A_18 = tpu.vector_load %arg10[%get3A_17] {strides = array<i32>} : memref<16xf32, #tpu.memory_space<vmem>>, vector<16xf32>,
    %get3A_19 = vector.shape_cast %get3A_18 : vector<16xf32> to vector<16xf32>
    %mul3A_20 = arith.constant 11.7721825 : f32
    %mul3A_21 = vector.broadcast %mul3A_20 : f32 to vector<16xf32>
    %mul3A_22 = arith.mulf %get3A_19, %mul3A_21 : vector<16xf32>
    %exp3A = math.exp %mul3A_22 : vector<16xf32>
    %mul3A_23 = arith.constant 2.35044295E-9 : f32
    %mul3A_24 = vector.broadcast %mul3A_23 : f32 to vector<16xf32>
    %mul3A_25 = arith.mulf %mul3A_24, %exp3A : vector<16xf32>
    %mul3A_26 = arith.mulf %get3A_13, %get3A_16 : vector<16xf32>
    %neg3A = arith.constant 0.000000e+00 : f32
    %neg3A_27 = vector.broadcast %neg3A : f32 to vector<16xf32>
    %neg3A_28 = arith.subf %neg3A_27, %get3A_16 : vector<16xf32>
    %exp3A_29 = math.exp %neg3A_28 : vector<16xf32>
    %sub3A = arith.constant 1.000000e+00 : f32
    %sub3A_30 = vector.broadcast %sub3A : f32 to vector<16xf32>
    %sub3A_31 = arith.subf %sub3A_30, %exp3A_29 : vector<16xf32>
    %div3A_32 = arith.divf %mul3A_26, %sub3A_31 : vector<16xf32>
    %broadcast_in_dim3A = vector.broadcast %add3A_4 : i32 to vector<16xi32>
    %lt3A = arith.constant 0 : i32
    %lt3A_33 = vector.broadcast %lt3A : i32 to vector<16xi32>
    %lt3A_34 = arith.cmpi slt, %broadcast_in_dim3A, %lt3A_33 : vector<16xi32>
    %add3A_35 = arith.constant 16 : i32
    %add3A_36 = vector.broadcast %add3A_35 : i32 to vector<16xi32>
    %add3A_37 = arith.addi %broadcast_in_dim3A, %add3A_36 : vector<16xi32>
    %select_n3A = arith.select %lt3A_34, %add3A_37, %broadcast_in_dim3A : vector<16xi1>, vector<16xi32>
    %broadcast_in_dim3A_38 = vector.shape_cast %select_n3A : vector<16xi32> to vector<16x1xi32>
    %gather3A = vector.shape_cast %broadcast_in_dim3A_38 : vector<16x1xi32> to vector<16xi32>
    %gather3A_39 = tpu.dynamic_gather %mul3A_25[%gather3A] in [0] : vector<16xf32>, vector<16xi32> -> vector<16xf32>
    %div3A_40 = arith.constant 1.000000e+00 : f32
    %div3A_41 = vector.broadcast %div3A_40 : f32 to vector<16xf32>
    %div3A_42 = arith.divf %div3A_41, %gather3A_39 : vector<16xf32>
    %broadcast_in_dim3A_43 = vector.broadcast %add3A_4 : i32 to vector<16xi32>
    %lt3A_44 = arith.constant 0 : i32
    %lt3A_45 = vector.broadcast %lt3A_44 : i32 to vector<16xi32>
    %lt3A_46 = arith.cmpi slt, %broadcast_in_dim3A_43, %lt3A_45 : vector<16xi32>
    %add3A_47 = arith.constant 16 : i32
    %add3A_48 = vector.broadcast %add3A_47 : i32 to vector<16xi32>
    %add3A_49 = arith.addi %broadcast_in_dim3A_43, %add3A_48 : vector<16xi32>
    %select_n3A_50 = arith.select %lt3A_46, %add3A_49, %broadcast_in_dim3A_43 : vector<16xi1>, vector<16xi32>
    %broadcast_in_dim3A_51 = vector.shape_cast %select_n3A_50 : vector<16xi32> to vector<16x1xi32>
    %gather3A_52 = vector.shape_cast %broadcast_in_dim3A_51 : vector<16x1xi32> to vector<16xi32>
    %gather3A_53 = tpu.dynamic_gather %get3A_16[%gather3A_52] in [0] : vector<16xf32>, vector<16xi32> -> vector<16xf32>
    %broadcast_in_dim3A_54 = vector.broadcast %add3A_4 : i32 to vector<16xi32>
    %lt3A_55 = arith.constant 0 : i32
    %lt3A_56 = vector.broadcast %lt3A_55 : i32 to vector<16xi32>
    %lt3A_57 = arith.cmpi slt, %broadcast_in_dim3A_54, %lt3A_56 : vector<16xi32>
    %add3A_58 = arith.constant 16 : i32
    %add3A_59 = vector.broadcast %add3A_58 : i32 to vector<16xi32>
    %add3A_60 = arith.addi %broadcast_in_dim3A_54, %add3A_59 : vector<16xi32>
    %select_n3A_61 = arith.select %lt3A_57, %add3A_60, %broadcast_in_dim3A_54 : vector<16xi1>, vector<16xi32>
    %broadcast_in_dim3A_62 = vector.shape_cast %select_n3A_61 : vector<16xi32> to vector<16x1xi32>
    %gather3A_63 = vector.shape_cast %broadcast_in_dim3A_62 : vector<16x1xi32> to vector<16xi32>
    %gather3A_64 = tpu.dynamic_gather %div3A_32[%gather3A_63] in [0] : vector<16xf32>, vector<16xi32> -> vector<16xf32>
    %broadcast_in_dim3A_65 = vector.broadcast %add3A_4 : i32 to vector<16xi32>
    %lt3A_66 = arith.constant 0 : i32
    %lt3A_67 = vector.broadcast %lt3A_66 : i32 to vector<16xi32>
    %lt3A_68 = arith.cmpi slt, %broadcast_in_dim3A_65, %lt3A_67 : vector<16xi32>
    %add3A_69 = arith.constant 16 : i32
    %add3A_70 = vector.broadcast %add3A_69 : i32 to vector<16xi32>
    %add3A_71 = arith.addi %broadcast_in_dim3A_65, %add3A_70 : vector<16xi32>
    %select_n3A_72 = arith.select %lt3A_68, %add3A_71, %broadcast_in_dim3A_65 : vector<16xi1>, vector<16xi32>
    %broadcast_in_dim3A_73 = vector.shape_cast %select_n3A_72 : vector<16xi32> to vector<16x1xi32>
    %gather3A_74 = vector.shape_cast %broadcast_in_dim3A_73 : vector<16x1xi32> to vector<16xi32>
    %gather3A_75 = tpu.dynamic_gather %get3A_13[%gather3A_74] in [0] : vector<16xf32>, vector<16xi32> -> vector<16xf32>
    %sub3A_76 = arith.constant 1.000000e+00 : f32
    %sub3A_77 = vector.broadcast %sub3A_76 : f32 to vector<16xf32>
    %sub3A_78 = arith.subf %sub3A_77, %gather3A_75 : vector<16xf32>
    %dma_wait3A = arith.constant 0 : i32
    %dma_wait3A_79 = arith.constant 0 : i32
    %dma_wait3A_80 = tpu.memref_slice %arg2[%add3A, %dma_wait3A, %dma_wait3A_79] : memref<32x6x1024xf32, #tpu.memory_space<hbm>> -> memref<1x6x1024xf32, #tpu.memory_space<hbm>>
    %dma_wait3A_81 = tpu.memref_squeeze %dma_wait3A_80 : memref<1x6x1024xf32, #tpu.memory_space<hbm>> -> memref<6x1024xf32, #tpu.memory_space<hbm>>
    %dma_wait3A_82 = arith.constant 0 : i32
    %dma_wait3A_83 = arith.constant 0 : i32
    %dma_wait3A_84 = tpu.memref_slice %arg2[%add3A, %dma_wait3A_82, %dma_wait3A_83] : memref<32x6x1024xf32, #tpu.memory_space<hbm>> -> memref<1x6x1024xf32, #tpu.memory_space<hbm>>
    %dma_wait3A_85 = tpu.memref_squeeze %dma_wait3A_84 : memref<1x6x1024xf32, #tpu.memory_space<hbm>> -> memref<6x1024xf32, #tpu.memory_space<hbm>>
    tpu.wait_dma2 semaphore(%arg12 : memref<!tpu.dma_semaphore, #tpu.memory_space<semaphore_mem>>) src(%dma_wait3A_85 : memref<6x1024xf32, #tpu.memory_space<hbm>>) dst(%arg7 : memref<6x1024xf32, #tpu.memory_space<vmem>>)
    %broadcast_in_dim3A_86 = arith.constant 0.000000e+00 : f32
    %broadcast_in_dim3A_87 = vector.broadcast %broadcast_in_dim3A_86 : f32 to vector<16xf32>
    %parallel_loop3A = arith.constant 0 : i32
    %parallel_loop3A_88 = arith.constant 64 : i32
    %parallel_loop3A_89 = arith.constant 1 : i32
    %parallel_loop3A_90:5 = scf.for %parallel_loop3A_459 = %parallel_loop3A to %parallel_loop3A_88 step %parallel_loop3A_89 iter_args(%parallel_loop3A_460 = %broadcast_in_dim3A_87, %parallel_loop3A_461 = %broadcast_in_dim3A_87, %parallel_loop3A_462 = %broadcast_in_dim3A_87, %parallel_loop3A_463 = %broadcast_in_dim3A_87, %parallel_loop3A_464 = %broadcast_in_dim3A_87) -> (vector<16xf32>, vector<16xf32>, vector<16xf32>, vector<16xf32>, vector<16xf32>)  : i32 {
      %parallel_loop3A_465 = arith.constant 16 : i32
      %parallel_loop3A_466 = arith.muli %parallel_loop3A_459, %parallel_loop3A_465 : i32
      %parallel_loop3A_467 = arith.constant 0 : i32
      %parallel_loop3A_468 = arith.index_cast %parallel_loop3A_467 : i32 to index
      %parallel_loop3A_469 = arith.index_cast %parallel_loop3A_466 : i32 to index
      %parallel_loop3A_470 = tpu.vector_load %arg7[%parallel_loop3A_468, %parallel_loop3A_469] {strides = array<i32>} : memref<6x1024xf32, #tpu.memory_space<vmem>>, vector<1x16xf32>,
      %parallel_loop3A_471 = vector.shape_cast %parallel_loop3A_470 : vector<1x16xf32> to vector<16xf32>
      %parallel_loop3A_472 = arith.constant 1 : i32
      %parallel_loop3A_473 = arith.index_cast %parallel_loop3A_472 : i32 to index
      %parallel_loop3A_474 = arith.index_cast %parallel_loop3A_466 : i32 to index
      %parallel_loop3A_475 = tpu.vector_load %arg7[%parallel_loop3A_473, %parallel_loop3A_474] {strides = array<i32>} : memref<6x1024xf32, #tpu.memory_space<vmem>>, vector<1x16xf32>,
      %parallel_loop3A_476 = vector.shape_cast %parallel_loop3A_475 : vector<1x16xf32> to vector<16xf32>
      %parallel_loop3A_477 = arith.constant 2 : i32
      %parallel_loop3A_478 = arith.index_cast %parallel_loop3A_477 : i32 to index
      %parallel_loop3A_479 = arith.index_cast %parallel_loop3A_466 : i32 to index
      %parallel_loop3A_480 = tpu.vector_load %arg7[%parallel_loop3A_478, %parallel_loop3A_479] {strides = array<i32>} : memref<6x1024xf32, #tpu.memory_space<vmem>>, vector<1x16xf32>,
      %parallel_loop3A_481 = vector.shape_cast %parallel_loop3A_480 : vector<1x16xf32> to vector<16xf32>
      %parallel_loop3A_482 = arith.constant 3 : i32
      %parallel_loop3A_483 = arith.index_cast %parallel_loop3A_482 : i32 to index
      %parallel_loop3A_484 = arith.index_cast %parallel_loop3A_466 : i32 to index
      %parallel_loop3A_485 = tpu.vector_load %arg7[%parallel_loop3A_483, %parallel_loop3A_484] {strides = array<i32>} : memref<6x1024xf32, #tpu.memory_space<vmem>>, vector<1x16xf32>,
      %parallel_loop3A_486 = vector.shape_cast %parallel_loop3A_485 : vector<1x16xf32> to vector<16xf32>
      %parallel_loop3A_487 = arith.constant 4 : i32
      %parallel_loop3A_488 = arith.index_cast %parallel_loop3A_487 : i32 to index
      %parallel_loop3A_489 = arith.index_cast %parallel_loop3A_466 : i32 to index
      %parallel_loop3A_490 = tpu.vector_load %arg7[%parallel_loop3A_488, %parallel_loop3A_489] {strides = array<i32>} : memref<6x1024xf32, #tpu.memory_space<vmem>>, vector<1x16xf32>,
      %parallel_loop3A_491 = vector.shape_cast %parallel_loop3A_490 : vector<1x16xf32> to vector<16xf32>
      %parallel_loop3A_492 = arith.constant 5 : i32
      %parallel_loop3A_493 = arith.index_cast %parallel_loop3A_492 : i32 to index
      %parallel_loop3A_494 = arith.index_cast %parallel_loop3A_466 : i32 to index
      %parallel_loop3A_495 = tpu.vector_load %arg7[%parallel_loop3A_493, %parallel_loop3A_494] {strides = array<i32>} : memref<6x1024xf32, #tpu.memory_space<vmem>>, vector<1x16xf32>,
      %parallel_loop3A_496 = vector.shape_cast %parallel_loop3A_495 : vector<1x16xf32> to vector<16xf32>
      %parallel_loop3A_497 = arith.subf %parallel_loop3A_471, %parallel_loop3A_486 : vector<16xf32>
      %parallel_loop3A_498 = arith.subf %parallel_loop3A_476, %parallel_loop3A_491 : vector<16xf32>
      %parallel_loop3A_499 = arith.subf %parallel_loop3A_481, %parallel_loop3A_496 : vector<16xf32>
      %parallel_loop3A_500 = arith.mulf %parallel_loop3A_497, %parallel_loop3A_497 : vector<16xf32>
      %parallel_loop3A_501 = arith.mulf %parallel_loop3A_498, %parallel_loop3A_498 : vector<16xf32>
      %parallel_loop3A_502 = arith.addf %parallel_loop3A_500, %parallel_loop3A_501 : vector<16xf32>
      %parallel_loop3A_503 = arith.mulf %parallel_loop3A_499, %parallel_loop3A_499 : vector<16xf32>
      %parallel_loop3A_504 = arith.addf %parallel_loop3A_502, %parallel_loop3A_503 : vector<16xf32>
      %parallel_loop3A_505 = arith.cmpf olt, %parallel_loop3A_504, %gather3A_39 : vector<16xf32>
      %parallel_loop3A_506 = arith.mulf %parallel_loop3A_504, %div3A_42 : vector<16xf32>
      %parallel_loop3A_507 = arith.constant 9.99999968E-21 : f32
      %parallel_loop3A_508 = vector.broadcast %parallel_loop3A_507 : f32 to vector<16xf32>
      %parallel_loop3A_509 = arith.maximumf %parallel_loop3A_506, %parallel_loop3A_508 : vector<16xf32>
      %parallel_loop3A_510 = tpu.bitcast %parallel_loop3A_509 : vector<16xf32> -> vector<16xi32>
      %parallel_loop3A_511 = arith.constant 1 : i32
      %parallel_loop3A_512 = vector.broadcast %parallel_loop3A_511 : i32 to vector<16xi32>
      %parallel_loop3A_513 = arith.shrsi %parallel_loop3A_510, %parallel_loop3A_512 : vector<16xi32>
      %parallel_loop3A_514 = arith.constant 1597463007 : i32
      %parallel_loop3A_515 = vector.broadcast %parallel_loop3A_514 : i32 to vector<16xi32>
      %parallel_loop3A_516 = arith.subi %parallel_loop3A_515, %parallel_loop3A_513 : vector<16xi32>
      %parallel_loop3A_517 = tpu.bitcast %parallel_loop3A_516 : vector<16xi32> -> vector<16xf32>
      %parallel_loop3A_518 = arith.constant 5.000000e-01 : f32
      %parallel_loop3A_519 = vector.broadcast %parallel_loop3A_518 : f32 to vector<16xf32>
      %parallel_loop3A_520 = arith.mulf %parallel_loop3A_519, %parallel_loop3A_509 : vector<16xf32>
      %parallel_loop3A_521 = arith.mulf %parallel_loop3A_520, %parallel_loop3A_517 : vector<16xf32>
      %parallel_loop3A_522 = arith.mulf %parallel_loop3A_521, %parallel_loop3A_517 : vector<16xf32>
      %parallel_loop3A_523 = arith.constant 1.500000e+00 : f32
      %parallel_loop3A_524 = vector.broadcast %parallel_loop3A_523 : f32 to vector<16xf32>
      %parallel_loop3A_525 = arith.subf %parallel_loop3A_524, %parallel_loop3A_522 : vector<16xf32>
      %parallel_loop3A_526 = arith.mulf %parallel_loop3A_517, %parallel_loop3A_525 : vector<16xf32>
      %parallel_loop3A_527 = arith.constant 5.000000e-01 : f32
      %parallel_loop3A_528 = vector.broadcast %parallel_loop3A_527 : f32 to vector<16xf32>
      %parallel_loop3A_529 = arith.mulf %parallel_loop3A_528, %parallel_loop3A_509 : vector<16xf32>
      %parallel_loop3A_530 = arith.mulf %parallel_loop3A_529, %parallel_loop3A_526 : vector<16xf32>
      %parallel_loop3A_531 = arith.mulf %parallel_loop3A_530, %parallel_loop3A_526 : vector<16xf32>
      %parallel_loop3A_532 = arith.constant 1.500000e+00 : f32
      %parallel_loop3A_533 = vector.broadcast %parallel_loop3A_532 : f32 to vector<16xf32>
      %parallel_loop3A_534 = arith.subf %parallel_loop3A_533, %parallel_loop3A_531 : vector<16xf32>
      %parallel_loop3A_535 = arith.mulf %parallel_loop3A_526, %parallel_loop3A_534 : vector<16xf32>
      %parallel_loop3A_536 = arith.mulf %parallel_loop3A_509, %parallel_loop3A_535 : vector<16xf32>
      %parallel_loop3A_537 = arith.constant -2.000000e+00 : f32
      %parallel_loop3A_538 = vector.broadcast %parallel_loop3A_537 : f32 to vector<16xf32>
      %parallel_loop3A_539 = arith.mulf %parallel_loop3A_538, %parallel_loop3A_536 : vector<16xf32>
      %parallel_loop3A_540 = math.exp %parallel_loop3A_539 : vector<16xf32>
      %parallel_loop3A_541 = arith.constant 0.000000e+00 : f32
      %parallel_loop3A_542 = vector.broadcast %parallel_loop3A_541 : f32 to vector<16xf32>
      %parallel_loop3A_543 = arith.select %parallel_loop3A_505, %parallel_loop3A_540, %parallel_loop3A_542 : vector<16xi1>, vector<16xf32>
      %parallel_loop3A_544 = arith.constant 0.000000e+00 : f32
      %parallel_loop3A_545 = vector.broadcast %parallel_loop3A_544 : f32 to vector<16xf32>
      %parallel_loop3A_546 = arith.subf %parallel_loop3A_545, %gather3A_53 : vector<16xf32>
      %parallel_loop3A_547 = arith.mulf %parallel_loop3A_546, %parallel_loop3A_506 : vector<16xf32>
      %parallel_loop3A_548 = math.exp %parallel_loop3A_547 : vector<16xf32>
      %parallel_loop3A_549 = arith.mulf %gather3A_64, %parallel_loop3A_548 : vector<16xf32>
      %parallel_loop3A_550 = arith.addf %parallel_loop3A_549, %sub3A_78 : vector<16xf32>
      %parallel_loop3A_551 = tpu.bitcast %parallel_loop3A_550 : vector<16xf32> -> vector<16xi32>
      %parallel_loop3A_552 = arith.constant 23 : i32
      %parallel_loop3A_553 = vector.broadcast %parallel_loop3A_552 : i32 to vector<16xi32>
      %parallel_loop3A_554 = arith.shrsi %parallel_loop3A_551, %parallel_loop3A_553 : vector<16xi32>
      %parallel_loop3A_555 = arith.constant 127 : i32
      %parallel_loop3A_556 = vector.broadcast %parallel_loop3A_555 : i32 to vector<16xi32>
      %parallel_loop3A_557 = arith.subi %parallel_loop3A_554, %parallel_loop3A_556 : vector<16xi32>
      %parallel_loop3A_558 = arith.constant 8388607 : i32
      %parallel_loop3A_559 = vector.broadcast %parallel_loop3A_558 : i32 to vector<16xi32>
      %parallel_loop3A_560 = arith.andi %parallel_loop3A_551, %parallel_loop3A_559 : vector<16xi32>
      %parallel_loop3A_561 = arith.constant 1065353216 : i32
      %parallel_loop3A_562 = vector.broadcast %parallel_loop3A_561 : i32 to vector<16xi32>
      %parallel_loop3A_563 = arith.ori %parallel_loop3A_560, %parallel_loop3A_562 : vector<16xi32>
      %parallel_loop3A_564 = tpu.bitcast %parallel_loop3A_563 : vector<16xi32> -> vector<16xf32>
      %parallel_loop3A_565 = arith.constant 1.41421354 : f32
      %parallel_loop3A_566 = vector.broadcast %parallel_loop3A_565 : f32 to vector<16xf32>
      %parallel_loop3A_567 = arith.cmpf ogt, %parallel_loop3A_564, %parallel_loop3A_566 : vector<16xf32>
      %parallel_loop3A_568 = arith.constant 5.000000e-01 : f32
      %parallel_loop3A_569 = vector.broadcast %parallel_loop3A_568 : f32 to vector<16xf32>
      %parallel_loop3A_570 = arith.mulf %parallel_loop3A_564, %parallel_loop3A_569 : vector<16xf32>
      %parallel_loop3A_571 = arith.select %parallel_loop3A_567, %parallel_loop3A_570, %parallel_loop3A_564 : vector<16xi1>, vector<16xf32>
      %parallel_loop3A_572 = arith.constant 1 : i32
      %parallel_loop3A_573 = vector.broadcast %parallel_loop3A_572 : i32 to vector<16xi32>
      %parallel_loop3A_574 = arith.addi %parallel_loop3A_557, %parallel_loop3A_573 : vector<16xi32>
      %parallel_loop3A_575 = arith.select %parallel_loop3A_567, %parallel_loop3A_574, %parallel_loop3A_557 : vector<16xi1>, vector<16xi32>
      %parallel_loop3A_576 = arith.constant 1.000000e+00 : f32
      %parallel_loop3A_577 = vector.broadcast %parallel_loop3A_576 : f32 to vector<16xf32>
      %parallel_loop3A_578 = arith.subf %parallel_loop3A_571, %parallel_loop3A_577 : vector<16xf32>
      %parallel_loop3A_579 = arith.constant 1.000000e+00 : f32
      %parallel_loop3A_580 = vector.broadcast %parallel_loop3A_579 : f32 to vector<16xf32>
      %parallel_loop3A_581 = arith.addf %parallel_loop3A_571, %parallel_loop3A_580 : vector<16xf32>
      %parallel_loop3A_582 = arith.divf %parallel_loop3A_578, %parallel_loop3A_581 : vector<16xf32>
      %parallel_loop3A_583 = arith.mulf %parallel_loop3A_582, %parallel_loop3A_582 : vector<16xf32>
      %parallel_loop3A_584 = arith.constant 0.142857149 : f32
      %parallel_loop3A_585 = vector.broadcast %parallel_loop3A_584 : f32 to vector<16xf32>
      %parallel_loop3A_586 = arith.mulf %parallel_loop3A_583, %parallel_loop3A_585 : vector<16xf32>
      %parallel_loop3A_587 = arith.constant 2.000000e-01 : f32
      %parallel_loop3A_588 = vector.broadcast %parallel_loop3A_587 : f32 to vector<16xf32>
      %parallel_loop3A_589 = arith.addf %parallel_loop3A_588, %parallel_loop3A_586 : vector<16xf32>
      %parallel_loop3A_590 = arith.mulf %parallel_loop3A_583, %parallel_loop3A_589 : vector<16xf32>
      %parallel_loop3A_591 = arith.constant 0.333333343 : f32
      %parallel_loop3A_592 = vector.broadcast %parallel_loop3A_591 : f32 to vector<16xf32>
      %parallel_loop3A_593 = arith.addf %parallel_loop3A_592, %parallel_loop3A_590 : vector<16xf32>
      %parallel_loop3A_594 = arith.mulf %parallel_loop3A_583, %parallel_loop3A_593 : vector<16xf32>
      %parallel_loop3A_595 = arith.constant 1.000000e+00 : f32
      %parallel_loop3A_596 = vector.broadcast %parallel_loop3A_595 : f32 to vector<16xf32>
      %parallel_loop3A_597 = arith.addf %parallel_loop3A_596, %parallel_loop3A_594 : vector<16xf32>
      %parallel_loop3A_598 = arith.sitofp %parallel_loop3A_575 : vector<16xi32> to vector<16xf32>
      %parallel_loop3A_599 = arith.constant 0.693147182 : f32
      %parallel_loop3A_600 = vector.broadcast %parallel_loop3A_599 : f32 to vector<16xf32>
      %parallel_loop3A_601 = arith.mulf %parallel_loop3A_598, %parallel_loop3A_600 : vector<16xf32>
      %parallel_loop3A_602 = arith.constant 2.000000e+00 : f32
      %parallel_loop3A_603 = vector.broadcast %parallel_loop3A_602 : f32 to vector<16xf32>
      %parallel_loop3A_604 = arith.mulf %parallel_loop3A_603, %parallel_loop3A_582 : vector<16xf32>
      %parallel_loop3A_605 = arith.mulf %parallel_loop3A_604, %parallel_loop3A_597 : vector<16xf32>
      %parallel_loop3A_606 = arith.addf %parallel_loop3A_601, %parallel_loop3A_605 : vector<16xf32>
      %parallel_loop3A_607 = arith.constant 0.000000e+00 : f32
      %parallel_loop3A_608 = vector.broadcast %parallel_loop3A_607 : f32 to vector<16xf32>
      %parallel_loop3A_609 = arith.select %parallel_loop3A_505, %parallel_loop3A_606, %parallel_loop3A_608 : vector<16xi1>, vector<16xf32>
      %parallel_loop3A_610 = arith.divf %parallel_loop3A_549, %parallel_loop3A_550 : vector<16xf32>
      %parallel_loop3A_611 = arith.constant 0.949999988 : f32
      %parallel_loop3A_612 = vector.broadcast %parallel_loop3A_611 : f32 to vector<16xf32>
      %parallel_loop3A_613 = arith.cmpf ogt, %parallel_loop3A_610, %parallel_loop3A_612 : vector<16xf32>
      %parallel_loop3A_614 = arith.andi %parallel_loop3A_505, %parallel_loop3A_613 : vector<16xi1>
      %parallel_loop3A_615 = arith.constant 0.000000e+00 : f32
      %parallel_loop3A_616 = vector.broadcast %parallel_loop3A_615 : f32 to vector<16xf32>
      %parallel_loop3A_617 = arith.select %parallel_loop3A_614, %parallel_loop3A_610, %parallel_loop3A_616 : vector<16xi1>, vector<16xf32>
      %parallel_loop3A_618 = arith.constant 1.000000e+00 : f32
      %parallel_loop3A_619 = arith.constant 0.000000e+00 : f32
      %parallel_loop3A_620 = vector.broadcast %parallel_loop3A_618 : f32 to vector<16xf32>
      %parallel_loop3A_621 = vector.broadcast %parallel_loop3A_619 : f32 to vector<16xf32>
      %parallel_loop3A_622 = arith.select %parallel_loop3A_505, %parallel_loop3A_620, %parallel_loop3A_621 : vector<16xi1>, vector<16xf32>
      %parallel_loop3A_623 = arith.addf %parallel_loop3A_460, %parallel_loop3A_622 : vector<16xf32>
      %parallel_loop3A_624 = arith.addf %parallel_loop3A_461, %parallel_loop3A_609 : vector<16xf32>
      %parallel_loop3A_625 = arith.mulf %parallel_loop3A_609, %parallel_loop3A_543 : vector<16xf32>
      %parallel_loop3A_626 = arith.addf %parallel_loop3A_462, %parallel_loop3A_625 : vector<16xf32>
      %parallel_loop3A_627 = arith.addf %parallel_loop3A_463, %parallel_loop3A_543 : vector<16xf32>
      %parallel_loop3A_628 = arith.addf %parallel_loop3A_464, %parallel_loop3A_617 : vector<16xf32>
      scf.yield %parallel_loop3A_623, %parallel_loop3A_624, %parallel_loop3A_626, %parallel_loop3A_627, %parallel_loop3A_628 : vector<16xf32>, vector<16xf32>, vector<16xf32>, vector<16xf32>, vector<16xf32>
    } {sc.loop_unroll_factor = 8 : i64, sc.parallel_access}
    %iota3A = tpu.iota {dimensions = array<i32: 0>} : vector<16xi32>
    %broadcast_in_dim3A_91 = arith.constant 0.000000e+00 : f32
    %broadcast_in_dim3A_92 = vector.broadcast %broadcast_in_dim3A_91 : f32 to vector<16xf32>
    %eq3A = arith.constant 0 : i32
    %eq3A_93 = vector.broadcast %eq3A : i32 to vector<16xi32>
    %eq3A_94 = arith.cmpi eq, %iota3A, %eq3A_93 : vector<16xi32>
    %iota3A_95 = tpu.iota {dimensions = array<i32: 0>} : vector<16xi32>
    %add3A_96 = arith.constant 8 : i32
    %add3A_97 = vector.broadcast %add3A_96 : i32 to vector<16xi32>
    %add3A_98 = arith.addi %iota3A_95, %add3A_97 : vector<16xi32>
    %and3A = arith.constant 15 : i32
    %and3A_99 = vector.broadcast %and3A : i32 to vector<16xi32>
    %and3A_100 = arith.andi %add3A_98, %and3A_99 : vector<16xi32>
    %lt3A_101 = arith.constant 0 : i32
    %lt3A_102 = vector.broadcast %lt3A_101 : i32 to vector<16xi32>
    %lt3A_103 = arith.cmpi slt, %and3A_100, %lt3A_102 : vector<16xi32>
    %add3A_104 = arith.constant 16 : i32
    %add3A_105 = vector.broadcast %add3A_104 : i32 to vector<16xi32>
    %add3A_106 = arith.addi %and3A_100, %add3A_105 : vector<16xi32>
    %select_n3A_107 = arith.select %lt3A_103, %add3A_106, %and3A_100 : vector<16xi1>, vector<16xi32>
    %broadcast_in_dim3A_108 = vector.shape_cast %select_n3A_107 : vector<16xi32> to vector<16x1xi32>
    %gather3A_109 = vector.shape_cast %broadcast_in_dim3A_108 : vector<16x1xi32> to vector<16xi32>
    %gather3A_110 = tpu.dynamic_gather %parallel_loop3A_90#0[%gather3A_109] in [0] : vector<16xf32>, vector<16xi32> -> vector<16xf32>
    %add3A_111 = arith.addf %parallel_loop3A_90#0, %gather3A_110 : vector<16xf32>
    %add3A_112 = arith.constant 4 : i32
    %add3A_113 = vector.broadcast %add3A_112 : i32 to vector<16xi32>
    %add3A_114 = arith.addi %iota3A_95, %add3A_113 : vector<16xi32>
    %and3A_115 = arith.constant 15 : i32
    %and3A_116 = vector.broadcast %and3A_115 : i32 to vector<16xi32>
    %and3A_117 = arith.andi %add3A_114, %and3A_116 : vector<16xi32>
    %lt3A_118 = arith.constant 0 : i32
    %lt3A_119 = vector.broadcast %lt3A_118 : i32 to vector<16xi32>
    %lt3A_120 = arith.cmpi slt, %and3A_117, %lt3A_119 : vector<16xi32>
    %add3A_121 = arith.constant 16 : i32
    %add3A_122 = vector.broadcast %add3A_121 : i32 to vector<16xi32>
    %add3A_123 = arith.addi %and3A_117, %add3A_122 : vector<16xi32>
    %select_n3A_124 = arith.select %lt3A_120, %add3A_123, %and3A_117 : vector<16xi1>, vector<16xi32>
    %broadcast_in_dim3A_125 = vector.shape_cast %select_n3A_124 : vector<16xi32> to vector<16x1xi32>
    %gather3A_126 = vector.shape_cast %broadcast_in_dim3A_125 : vector<16x1xi32> to vector<16xi32>
    %gather3A_127 = tpu.dynamic_gather %add3A_111[%gather3A_126] in [0] : vector<16xf32>, vector<16xi32> -> vector<16xf32>
    %add3A_128 = arith.addf %add3A_111, %gather3A_127 : vector<16xf32>
    %add3A_129 = arith.constant 2 : i32
    %add3A_130 = vector.broadcast %add3A_129 : i32 to vector<16xi32>
    %add3A_131 = arith.addi %iota3A_95, %add3A_130 : vector<16xi32>
    %and3A_132 = arith.constant 15 : i32
    %and3A_133 = vector.broadcast %and3A_132 : i32 to vector<16xi32>
    %and3A_134 = arith.andi %add3A_131, %and3A_133 : vector<16xi32>
    %lt3A_135 = arith.constant 0 : i32
    %lt3A_136 = vector.broadcast %lt3A_135 : i32 to vector<16xi32>
    %lt3A_137 = arith.cmpi slt, %and3A_134, %lt3A_136 : vector<16xi32>
    %add3A_138 = arith.constant 16 : i32
    %add3A_139 = vector.broadcast %add3A_138 : i32 to vector<16xi32>
    %add3A_140 = arith.addi %and3A_134, %add3A_139 : vector<16xi32>
    %select_n3A_141 = arith.select %lt3A_137, %add3A_140, %and3A_134 : vector<16xi1>, vector<16xi32>
    %broadcast_in_dim3A_142 = vector.shape_cast %select_n3A_141 : vector<16xi32> to vector<16x1xi32>
    %gather3A_143 = vector.shape_cast %broadcast_in_dim3A_142 : vector<16x1xi32> to vector<16xi32>
    %gather3A_144 = tpu.dynamic_gather %add3A_128[%gather3A_143] in [0] : vector<16xf32>, vector<16xi32> -> vector<16xf32>
    %add3A_145 = arith.addf %add3A_128, %gather3A_144 : vector<16xf32>
    %add3A_146 = arith.constant 1 : i32
    %add3A_147 = vector.broadcast %add3A_146 : i32 to vector<16xi32>
    %add3A_148 = arith.addi %iota3A_95, %add3A_147 : vector<16xi32>
    %and3A_149 = arith.constant 15 : i32
    %and3A_150 = vector.broadcast %and3A_149 : i32 to vector<16xi32>
    %and3A_151 = arith.andi %add3A_148, %and3A_150 : vector<16xi32>
    %lt3A_152 = arith.constant 0 : i32
    %lt3A_153 = vector.broadcast %lt3A_152 : i32 to vector<16xi32>
    %lt3A_154 = arith.cmpi slt, %and3A_151, %lt3A_153 : vector<16xi32>
    %add3A_155 = arith.constant 16 : i32
    %add3A_156 = vector.broadcast %add3A_155 : i32 to vector<16xi32>
    %add3A_157 = arith.addi %and3A_151, %add3A_156 : vector<16xi32>
    %select_n3A_158 = arith.select %lt3A_154, %add3A_157, %and3A_151 : vector<16xi1>, vector<16xi32>
    %broadcast_in_dim3A_159 = vector.shape_cast %select_n3A_158 : vector<16xi32> to vector<16x1xi32>
    %gather3A_160 = vector.shape_cast %broadcast_in_dim3A_159 : vector<16x1xi32> to vector<16xi32>
    %gather3A_161 = tpu.dynamic_gather %add3A_145[%gather3A_160] in [0] : vector<16xf32>, vector<16xi32> -> vector<16xf32>
    %add3A_162 = arith.addf %add3A_145, %gather3A_161 : vector<16xf32>
    %select_n3A_163 = arith.select %eq3A_94, %add3A_162, %broadcast_in_dim3A_92 : vector<16xi1>, vector<16xf32>
    %eq3A_164 = arith.constant 1 : i32
    %eq3A_165 = vector.broadcast %eq3A_164 : i32 to vector<16xi32>
    %eq3A_166 = arith.cmpi eq, %iota3A, %eq3A_165 : vector<16xi32>
    %iota3A_167 = tpu.iota {dimensions = array<i32: 0>} : vector<16xi32>
    %add3A_168 = arith.constant 8 : i32
    %add3A_169 = vector.broadcast %add3A_168 : i32 to vector<16xi32>
    %add3A_170 = arith.addi %iota3A_167, %add3A_169 : vector<16xi32>
    %and3A_171 = arith.constant 15 : i32
    %and3A_172 = vector.broadcast %and3A_171 : i32 to vector<16xi32>
    %and3A_173 = arith.andi %add3A_170, %and3A_172 : vector<16xi32>
    %lt3A_174 = arith.constant 0 : i32
    %lt3A_175 = vector.broadcast %lt3A_174 : i32 to vector<16xi32>
    %lt3A_176 = arith.cmpi slt, %and3A_173, %lt3A_175 : vector<16xi32>
    %add3A_177 = arith.constant 16 : i32
    %add3A_178 = vector.broadcast %add3A_177 : i32 to vector<16xi32>
    %add3A_179 = arith.addi %and3A_173, %add3A_178 : vector<16xi32>
    %select_n3A_180 = arith.select %lt3A_176, %add3A_179, %and3A_173 : vector<16xi1>, vector<16xi32>
    %broadcast_in_dim3A_181 = vector.shape_cast %select_n3A_180 : vector<16xi32> to vector<16x1xi32>
    %gather3A_182 = vector.shape_cast %broadcast_in_dim3A_181 : vector<16x1xi32> to vector<16xi32>
    %gather3A_183 = tpu.dynamic_gather %parallel_loop3A_90#1[%gather3A_182] in [0] : vector<16xf32>, vector<16xi32> -> vector<16xf32>
    %add3A_184 = arith.addf %parallel_loop3A_90#1, %gather3A_183 : vector<16xf32>
    %add3A_185 = arith.constant 4 : i32
    %add3A_186 = vector.broadcast %add3A_185 : i32 to vector<16xi32>
    %add3A_187 = arith.addi %iota3A_167, %add3A_186 : vector<16xi32>
    %and3A_188 = arith.constant 15 : i32
    %and3A_189 = vector.broadcast %and3A_188 : i32 to vector<16xi32>
    %and3A_190 = arith.andi %add3A_187, %and3A_189 : vector<16xi32>
    %lt3A_191 = arith.constant 0 : i32
    %lt3A_192 = vector.broadcast %lt3A_191 : i32 to vector<16xi32>
    %lt3A_193 = arith.cmpi slt, %and3A_190, %lt3A_192 : vector<16xi32>
    %add3A_194 = arith.constant 16 : i32
    %add3A_195 = vector.broadcast %add3A_194 : i32 to vector<16xi32>
    %add3A_196 = arith.addi %and3A_190, %add3A_195 : vector<16xi32>
    %select_n3A_197 = arith.select %lt3A_193, %add3A_196, %and3A_190 : vector<16xi1>, vector<16xi32>
    %broadcast_in_dim3A_198 = vector.shape_cast %select_n3A_197 : vector<16xi32> to vector<16x1xi32>
    %gather3A_199 = vector.shape_cast %broadcast_in_dim3A_198 : vector<16x1xi32> to vector<16xi32>
    %gather3A_200 = tpu.dynamic_gather %add3A_184[%gather3A_199] in [0] : vector<16xf32>, vector<16xi32> -> vector<16xf32>
    %add3A_201 = arith.addf %add3A_184, %gather3A_200 : vector<16xf32>
    %add3A_202 = arith.constant 2 : i32
    %add3A_203 = vector.broadcast %add3A_202 : i32 to vector<16xi32>
    %add3A_204 = arith.addi %iota3A_167, %add3A_203 : vector<16xi32>
    %and3A_205 = arith.constant 15 : i32
    %and3A_206 = vector.broadcast %and3A_205 : i32 to vector<16xi32>
    %and3A_207 = arith.andi %add3A_204, %and3A_206 : vector<16xi32>
    %lt3A_208 = arith.constant 0 : i32
    %lt3A_209 = vector.broadcast %lt3A_208 : i32 to vector<16xi32>
    %lt3A_210 = arith.cmpi slt, %and3A_207, %lt3A_209 : vector<16xi32>
    %add3A_211 = arith.constant 16 : i32
    %add3A_212 = vector.broadcast %add3A_211 : i32 to vector<16xi32>
    %add3A_213 = arith.addi %and3A_207, %add3A_212 : vector<16xi32>
    %select_n3A_214 = arith.select %lt3A_210, %add3A_213, %and3A_207 : vector<16xi1>, vector<16xi32>
    %broadcast_in_dim3A_215 = vector.shape_cast %select_n3A_214 : vector<16xi32> to vector<16x1xi32>
    %gather3A_216 = vector.shape_cast %broadcast_in_dim3A_215 : vector<16x1xi32> to vector<16xi32>
    %gather3A_217 = tpu.dynamic_gather %add3A_201[%gather3A_216] in [0] : vector<16xf32>, vector<16xi32> -> vector<16xf32>
    %add3A_218 = arith.addf %add3A_201, %gather3A_217 : vector<16xf32>
    %add3A_219 = arith.constant 1 : i32
    %add3A_220 = vector.broadcast %add3A_219 : i32 to vector<16xi32>
    %add3A_221 = arith.addi %iota3A_167, %add3A_220 : vector<16xi32>
    %and3A_222 = arith.constant 15 : i32
    %and3A_223 = vector.broadcast %and3A_222 : i32 to vector<16xi32>
    %and3A_224 = arith.andi %add3A_221, %and3A_223 : vector<16xi32>
    %lt3A_225 = arith.constant 0 : i32
    %lt3A_226 = vector.broadcast %lt3A_225 : i32 to vector<16xi32>
    %lt3A_227 = arith.cmpi slt, %and3A_224, %lt3A_226 : vector<16xi32>
    %add3A_228 = arith.constant 16 : i32
    %add3A_229 = vector.broadcast %add3A_228 : i32 to vector<16xi32>
    %add3A_230 = arith.addi %and3A_224, %add3A_229 : vector<16xi32>
    %select_n3A_231 = arith.select %lt3A_227, %add3A_230, %and3A_224 : vector<16xi1>, vector<16xi32>
    %broadcast_in_dim3A_232 = vector.shape_cast %select_n3A_231 : vector<16xi32> to vector<16x1xi32>
    %gather3A_233 = vector.shape_cast %broadcast_in_dim3A_232 : vector<16x1xi32> to vector<16xi32>
    %gather3A_234 = tpu.dynamic_gather %add3A_218[%gather3A_233] in [0] : vector<16xf32>, vector<16xi32> -> vector<16xf32>
    %add3A_235 = arith.addf %add3A_218, %gather3A_234 : vector<16xf32>
    %select_n3A_236 = arith.select %eq3A_166, %add3A_235, %select_n3A_163 : vector<16xi1>, vector<16xf32>
    %eq3A_237 = arith.constant 2 : i32
    %eq3A_238 = vector.broadcast %eq3A_237 : i32 to vector<16xi32>
    %eq3A_239 = arith.cmpi eq, %iota3A, %eq3A_238 : vector<16xi32>
    %iota3A_240 = tpu.iota {dimensions = array<i32: 0>} : vector<16xi32>
    %add3A_241 = arith.constant 8 : i32
    %add3A_242 = vector.broadcast %add3A_241 : i32 to vector<16xi32>
    %add3A_243 = arith.addi %iota3A_240, %add3A_242 : vector<16xi32>
    %and3A_244 = arith.constant 15 : i32
    %and3A_245 = vector.broadcast %and3A_244 : i32 to vector<16xi32>
    %and3A_246 = arith.andi %add3A_243, %and3A_245 : vector<16xi32>
    %lt3A_247 = arith.constant 0 : i32
    %lt3A_248 = vector.broadcast %lt3A_247 : i32 to vector<16xi32>
    %lt3A_249 = arith.cmpi slt, %and3A_246, %lt3A_248 : vector<16xi32>
    %add3A_250 = arith.constant 16 : i32
    %add3A_251 = vector.broadcast %add3A_250 : i32 to vector<16xi32>
    %add3A_252 = arith.addi %and3A_246, %add3A_251 : vector<16xi32>
    %select_n3A_253 = arith.select %lt3A_249, %add3A_252, %and3A_246 : vector<16xi1>, vector<16xi32>
    %broadcast_in_dim3A_254 = vector.shape_cast %select_n3A_253 : vector<16xi32> to vector<16x1xi32>
    %gather3A_255 = vector.shape_cast %broadcast_in_dim3A_254 : vector<16x1xi32> to vector<16xi32>
    %gather3A_256 = tpu.dynamic_gather %parallel_loop3A_90#2[%gather3A_255] in [0] : vector<16xf32>, vector<16xi32> -> vector<16xf32>
    %add3A_257 = arith.addf %parallel_loop3A_90#2, %gather3A_256 : vector<16xf32>
    %add3A_258 = arith.constant 4 : i32
    %add3A_259 = vector.broadcast %add3A_258 : i32 to vector<16xi32>
    %add3A_260 = arith.addi %iota3A_240, %add3A_259 : vector<16xi32>
    %and3A_261 = arith.constant 15 : i32
    %and3A_262 = vector.broadcast %and3A_261 : i32 to vector<16xi32>
    %and3A_263 = arith.andi %add3A_260, %and3A_262 : vector<16xi32>
    %lt3A_264 = arith.constant 0 : i32
    %lt3A_265 = vector.broadcast %lt3A_264 : i32 to vector<16xi32>
    %lt3A_266 = arith.cmpi slt, %and3A_263, %lt3A_265 : vector<16xi32>
    %add3A_267 = arith.constant 16 : i32
    %add3A_268 = vector.broadcast %add3A_267 : i32 to vector<16xi32>
    %add3A_269 = arith.addi %and3A_263, %add3A_268 : vector<16xi32>
    %select_n3A_270 = arith.select %lt3A_266, %add3A_269, %and3A_263 : vector<16xi1>, vector<16xi32>
    %broadcast_in_dim3A_271 = vector.shape_cast %select_n3A_270 : vector<16xi32> to vector<16x1xi32>
    %gather3A_272 = vector.shape_cast %broadcast_in_dim3A_271 : vector<16x1xi32> to vector<16xi32>
    %gather3A_273 = tpu.dynamic_gather %add3A_257[%gather3A_272] in [0] : vector<16xf32>, vector<16xi32> -> vector<16xf32>
    %add3A_274 = arith.addf %add3A_257, %gather3A_273 : vector<16xf32>
    %add3A_275 = arith.constant 2 : i32
    %add3A_276 = vector.broadcast %add3A_275 : i32 to vector<16xi32>
    %add3A_277 = arith.addi %iota3A_240, %add3A_276 : vector<16xi32>
    %and3A_278 = arith.constant 15 : i32
    %and3A_279 = vector.broadcast %and3A_278 : i32 to vector<16xi32>
    %and3A_280 = arith.andi %add3A_277, %and3A_279 : vector<16xi32>
    %lt3A_281 = arith.constant 0 : i32
    %lt3A_282 = vector.broadcast %lt3A_281 : i32 to vector<16xi32>
    %lt3A_283 = arith.cmpi slt, %and3A_280, %lt3A_282 : vector<16xi32>
    %add3A_284 = arith.constant 16 : i32
    %add3A_285 = vector.broadcast %add3A_284 : i32 to vector<16xi32>
    %add3A_286 = arith.addi %and3A_280, %add3A_285 : vector<16xi32>
    %select_n3A_287 = arith.select %lt3A_283, %add3A_286, %and3A_280 : vector<16xi1>, vector<16xi32>
    %broadcast_in_dim3A_288 = vector.shape_cast %select_n3A_287 : vector<16xi32> to vector<16x1xi32>
    %gather3A_289 = vector.shape_cast %broadcast_in_dim3A_288 : vector<16x1xi32> to vector<16xi32>
    %gather3A_290 = tpu.dynamic_gather %add3A_274[%gather3A_289] in [0] : vector<16xf32>, vector<16xi32> -> vector<16xf32>
    %add3A_291 = arith.addf %add3A_274, %gather3A_290 : vector<16xf32>
    %add3A_292 = arith.constant 1 : i32
    %add3A_293 = vector.broadcast %add3A_292 : i32 to vector<16xi32>
    %add3A_294 = arith.addi %iota3A_240, %add3A_293 : vector<16xi32>
    %and3A_295 = arith.constant 15 : i32
    %and3A_296 = vector.broadcast %and3A_295 : i32 to vector<16xi32>
    %and3A_297 = arith.andi %add3A_294, %and3A_296 : vector<16xi32>
    %lt3A_298 = arith.constant 0 : i32
    %lt3A_299 = vector.broadcast %lt3A_298 : i32 to vector<16xi32>
    %lt3A_300 = arith.cmpi slt, %and3A_297, %lt3A_299 : vector<16xi32>
    %add3A_301 = arith.constant 16 : i32
    %add3A_302 = vector.broadcast %add3A_301 : i32 to vector<16xi32>
    %add3A_303 = arith.addi %and3A_297, %add3A_302 : vector<16xi32>
    %select_n3A_304 = arith.select %lt3A_300, %add3A_303, %and3A_297 : vector<16xi1>, vector<16xi32>
    %broadcast_in_dim3A_305 = vector.shape_cast %select_n3A_304 : vector<16xi32> to vector<16x1xi32>
    %gather3A_306 = vector.shape_cast %broadcast_in_dim3A_305 : vector<16x1xi32> to vector<16xi32>
    %gather3A_307 = tpu.dynamic_gather %add3A_291[%gather3A_306] in [0] : vector<16xf32>, vector<16xi32> -> vector<16xf32>
    %add3A_308 = arith.addf %add3A_291, %gather3A_307 : vector<16xf32>
    %select_n3A_309 = arith.select %eq3A_239, %add3A_308, %select_n3A_236 : vector<16xi1>, vector<16xf32>
    %eq3A_310 = arith.constant 3 : i32
    %eq3A_311 = vector.broadcast %eq3A_310 : i32 to vector<16xi32>
    %eq3A_312 = arith.cmpi eq, %iota3A, %eq3A_311 : vector<16xi32>
    %iota3A_313 = tpu.iota {dimensions = array<i32: 0>} : vector<16xi32>
    %add3A_314 = arith.constant 8 : i32
    %add3A_315 = vector.broadcast %add3A_314 : i32 to vector<16xi32>
    %add3A_316 = arith.addi %iota3A_313, %add3A_315 : vector<16xi32>
    %and3A_317 = arith.constant 15 : i32
    %and3A_318 = vector.broadcast %and3A_317 : i32 to vector<16xi32>
    %and3A_319 = arith.andi %add3A_316, %and3A_318 : vector<16xi32>
    %lt3A_320 = arith.constant 0 : i32
    %lt3A_321 = vector.broadcast %lt3A_320 : i32 to vector<16xi32>
    %lt3A_322 = arith.cmpi slt, %and3A_319, %lt3A_321 : vector<16xi32>
    %add3A_323 = arith.constant 16 : i32
    %add3A_324 = vector.broadcast %add3A_323 : i32 to vector<16xi32>
    %add3A_325 = arith.addi %and3A_319, %add3A_324 : vector<16xi32>
    %select_n3A_326 = arith.select %lt3A_322, %add3A_325, %and3A_319 : vector<16xi1>, vector<16xi32>
    %broadcast_in_dim3A_327 = vector.shape_cast %select_n3A_326 : vector<16xi32> to vector<16x1xi32>
    %gather3A_328 = vector.shape_cast %broadcast_in_dim3A_327 : vector<16x1xi32> to vector<16xi32>
    %gather3A_329 = tpu.dynamic_gather %parallel_loop3A_90#3[%gather3A_328] in [0] : vector<16xf32>, vector<16xi32> -> vector<16xf32>
    %add3A_330 = arith.addf %parallel_loop3A_90#3, %gather3A_329 : vector<16xf32>
    %add3A_331 = arith.constant 4 : i32
    %add3A_332 = vector.broadcast %add3A_331 : i32 to vector<16xi32>
    %add3A_333 = arith.addi %iota3A_313, %add3A_332 : vector<16xi32>
    %and3A_334 = arith.constant 15 : i32
    %and3A_335 = vector.broadcast %and3A_334 : i32 to vector<16xi32>
    %and3A_336 = arith.andi %add3A_333, %and3A_335 : vector<16xi32>
    %lt3A_337 = arith.constant 0 : i32
    %lt3A_338 = vector.broadcast %lt3A_337 : i32 to vector<16xi32>
    %lt3A_339 = arith.cmpi slt, %and3A_336, %lt3A_338 : vector<16xi32>
    %add3A_340 = arith.constant 16 : i32
    %add3A_341 = vector.broadcast %add3A_340 : i32 to vector<16xi32>
    %add3A_342 = arith.addi %and3A_336, %add3A_341 : vector<16xi32>
    %select_n3A_343 = arith.select %lt3A_339, %add3A_342, %and3A_336 : vector<16xi1>, vector<16xi32>
    %broadcast_in_dim3A_344 = vector.shape_cast %select_n3A_343 : vector<16xi32> to vector<16x1xi32>
    %gather3A_345 = vector.shape_cast %broadcast_in_dim3A_344 : vector<16x1xi32> to vector<16xi32>
    %gather3A_346 = tpu.dynamic_gather %add3A_330[%gather3A_345] in [0] : vector<16xf32>, vector<16xi32> -> vector<16xf32>
    %add3A_347 = arith.addf %add3A_330, %gather3A_346 : vector<16xf32>
    %add3A_348 = arith.constant 2 : i32
    %add3A_349 = vector.broadcast %add3A_348 : i32 to vector<16xi32>
    %add3A_350 = arith.addi %iota3A_313, %add3A_349 : vector<16xi32>
    %and3A_351 = arith.constant 15 : i32
    %and3A_352 = vector.broadcast %and3A_351 : i32 to vector<16xi32>
    %and3A_353 = arith.andi %add3A_350, %and3A_352 : vector<16xi32>
    %lt3A_354 = arith.constant 0 : i32
    %lt3A_355 = vector.broadcast %lt3A_354 : i32 to vector<16xi32>
    %lt3A_356 = arith.cmpi slt, %and3A_353, %lt3A_355 : vector<16xi32>
    %add3A_357 = arith.constant 16 : i32
    %add3A_358 = vector.broadcast %add3A_357 : i32 to vector<16xi32>
    %add3A_359 = arith.addi %and3A_353, %add3A_358 : vector<16xi32>
    %select_n3A_360 = arith.select %lt3A_356, %add3A_359, %and3A_353 : vector<16xi1>, vector<16xi32>
    %broadcast_in_dim3A_361 = vector.shape_cast %select_n3A_360 : vector<16xi32> to vector<16x1xi32>
    %gather3A_362 = vector.shape_cast %broadcast_in_dim3A_361 : vector<16x1xi32> to vector<16xi32>
    %gather3A_363 = tpu.dynamic_gather %add3A_347[%gather3A_362] in [0] : vector<16xf32>, vector<16xi32> -> vector<16xf32>
    %add3A_364 = arith.addf %add3A_347, %gather3A_363 : vector<16xf32>
    %add3A_365 = arith.constant 1 : i32
    %add3A_366 = vector.broadcast %add3A_365 : i32 to vector<16xi32>
    %add3A_367 = arith.addi %iota3A_313, %add3A_366 : vector<16xi32>
    %and3A_368 = arith.constant 15 : i32
    %and3A_369 = vector.broadcast %and3A_368 : i32 to vector<16xi32>
    %and3A_370 = arith.andi %add3A_367, %and3A_369 : vector<16xi32>
    %lt3A_371 = arith.constant 0 : i32
    %lt3A_372 = vector.broadcast %lt3A_371 : i32 to vector<16xi32>
    %lt3A_373 = arith.cmpi slt, %and3A_370, %lt3A_372 : vector<16xi32>
    %add3A_374 = arith.constant 16 : i32
    %add3A_375 = vector.broadcast %add3A_374 : i32 to vector<16xi32>
    %add3A_376 = arith.addi %and3A_370, %add3A_375 : vector<16xi32>
    %select_n3A_377 = arith.select %lt3A_373, %add3A_376, %and3A_370 : vector<16xi1>, vector<16xi32>
    %broadcast_in_dim3A_378 = vector.shape_cast %select_n3A_377 : vector<16xi32> to vector<16x1xi32>
    %gather3A_379 = vector.shape_cast %broadcast_in_dim3A_378 : vector<16x1xi32> to vector<16xi32>
    %gather3A_380 = tpu.dynamic_gather %add3A_364[%gather3A_379] in [0] : vector<16xf32>, vector<16xi32> -> vector<16xf32>
    %add3A_381 = arith.addf %add3A_364, %gather3A_380 : vector<16xf32>
    %select_n3A_382 = arith.select %eq3A_312, %add3A_381, %select_n3A_309 : vector<16xi1>, vector<16xf32>
    %eq3A_383 = arith.constant 4 : i32
    %eq3A_384 = vector.broadcast %eq3A_383 : i32 to vector<16xi32>
    %eq3A_385 = arith.cmpi eq, %iota3A, %eq3A_384 : vector<16xi32>
    %iota3A_386 = tpu.iota {dimensions = array<i32: 0>} : vector<16xi32>
    %add3A_387 = arith.constant 8 : i32
    %add3A_388 = vector.broadcast %add3A_387 : i32 to vector<16xi32>
    %add3A_389 = arith.addi %iota3A_386, %add3A_388 : vector<16xi32>
    %and3A_390 = arith.constant 15 : i32
    %and3A_391 = vector.broadcast %and3A_390 : i32 to vector<16xi32>
    %and3A_392 = arith.andi %add3A_389, %and3A_391 : vector<16xi32>
    %lt3A_393 = arith.constant 0 : i32
    %lt3A_394 = vector.broadcast %lt3A_393 : i32 to vector<16xi32>
    %lt3A_395 = arith.cmpi slt, %and3A_392, %lt3A_394 : vector<16xi32>
    %add3A_396 = arith.constant 16 : i32
    %add3A_397 = vector.broadcast %add3A_396 : i32 to vector<16xi32>
    %add3A_398 = arith.addi %and3A_392, %add3A_397 : vector<16xi32>
    %select_n3A_399 = arith.select %lt3A_395, %add3A_398, %and3A_392 : vector<16xi1>, vector<16xi32>
    %broadcast_in_dim3A_400 = vector.shape_cast %select_n3A_399 : vector<16xi32> to vector<16x1xi32>
    %gather3A_401 = vector.shape_cast %broadcast_in_dim3A_400 : vector<16x1xi32> to vector<16xi32>
    %gather3A_402 = tpu.dynamic_gather %parallel_loop3A_90#4[%gather3A_401] in [0] : vector<16xf32>, vector<16xi32> -> vector<16xf32>
    %add3A_403 = arith.addf %parallel_loop3A_90#4, %gather3A_402 : vector<16xf32>
    %add3A_404 = arith.constant 4 : i32
    %add3A_405 = vector.broadcast %add3A_404 : i32 to vector<16xi32>
    %add3A_406 = arith.addi %iota3A_386, %add3A_405 : vector<16xi32>
    %and3A_407 = arith.constant 15 : i32
    %and3A_408 = vector.broadcast %and3A_407 : i32 to vector<16xi32>
    %and3A_409 = arith.andi %add3A_406, %and3A_408 : vector<16xi32>
    %lt3A_410 = arith.constant 0 : i32
    %lt3A_411 = vector.broadcast %lt3A_410 : i32 to vector<16xi32>
    %lt3A_412 = arith.cmpi slt, %and3A_409, %lt3A_411 : vector<16xi32>
    %add3A_413 = arith.constant 16 : i32
    %add3A_414 = vector.broadcast %add3A_413 : i32 to vector<16xi32>
    %add3A_415 = arith.addi %and3A_409, %add3A_414 : vector<16xi32>
    %select_n3A_416 = arith.select %lt3A_412, %add3A_415, %and3A_409 : vector<16xi1>, vector<16xi32>
    %broadcast_in_dim3A_417 = vector.shape_cast %select_n3A_416 : vector<16xi32> to vector<16x1xi32>
    %gather3A_418 = vector.shape_cast %broadcast_in_dim3A_417 : vector<16x1xi32> to vector<16xi32>
    %gather3A_419 = tpu.dynamic_gather %add3A_403[%gather3A_418] in [0] : vector<16xf32>, vector<16xi32> -> vector<16xf32>
    %add3A_420 = arith.addf %add3A_403, %gather3A_419 : vector<16xf32>
    %add3A_421 = arith.constant 2 : i32
    %add3A_422 = vector.broadcast %add3A_421 : i32 to vector<16xi32>
    %add3A_423 = arith.addi %iota3A_386, %add3A_422 : vector<16xi32>
    %and3A_424 = arith.constant 15 : i32
    %and3A_425 = vector.broadcast %and3A_424 : i32 to vector<16xi32>
    %and3A_426 = arith.andi %add3A_423, %and3A_425 : vector<16xi32>
    %lt3A_427 = arith.constant 0 : i32
    %lt3A_428 = vector.broadcast %lt3A_427 : i32 to vector<16xi32>
    %lt3A_429 = arith.cmpi slt, %and3A_426, %lt3A_428 : vector<16xi32>
    %add3A_430 = arith.constant 16 : i32
    %add3A_431 = vector.broadcast %add3A_430 : i32 to vector<16xi32>
    %add3A_432 = arith.addi %and3A_426, %add3A_431 : vector<16xi32>
    %select_n3A_433 = arith.select %lt3A_429, %add3A_432, %and3A_426 : vector<16xi1>, vector<16xi32>
    %broadcast_in_dim3A_434 = vector.shape_cast %select_n3A_433 : vector<16xi32> to vector<16x1xi32>
    %gather3A_435 = vector.shape_cast %broadcast_in_dim3A_434 : vector<16x1xi32> to vector<16xi32>
    %gather3A_436 = tpu.dynamic_gather %add3A_420[%gather3A_435] in [0] : vector<16xf32>, vector<16xi32> -> vector<16xf32>
    %add3A_437 = arith.addf %add3A_420, %gather3A_436 : vector<16xf32>
    %add3A_438 = arith.constant 1 : i32
    %add3A_439 = vector.broadcast %add3A_438 : i32 to vector<16xi32>
    %add3A_440 = arith.addi %iota3A_386, %add3A_439 : vector<16xi32>
    %and3A_441 = arith.constant 15 : i32
    %and3A_442 = vector.broadcast %and3A_441 : i32 to vector<16xi32>
    %and3A_443 = arith.andi %add3A_440, %and3A_442 : vector<16xi32>
    %lt3A_444 = arith.constant 0 : i32
    %lt3A_445 = vector.broadcast %lt3A_444 : i32 to vector<16xi32>
    %lt3A_446 = arith.cmpi slt, %and3A_443, %lt3A_445 : vector<16xi32>
    %add3A_447 = arith.constant 16 : i32
    %add3A_448 = vector.broadcast %add3A_447 : i32 to vector<16xi32>
    %add3A_449 = arith.addi %and3A_443, %add3A_448 : vector<16xi32>
    %select_n3A_450 = arith.select %lt3A_446, %add3A_449, %and3A_443 : vector<16xi1>, vector<16xi32>
    %broadcast_in_dim3A_451 = vector.shape_cast %select_n3A_450 : vector<16xi32> to vector<16x1xi32>
    %gather3A_452 = vector.shape_cast %broadcast_in_dim3A_451 : vector<16x1xi32> to vector<16xi32>
    %gather3A_453 = tpu.dynamic_gather %add3A_437[%gather3A_452] in [0] : vector<16xf32>, vector<16xi32> -> vector<16xf32>
    %add3A_454 = arith.addf %add3A_437, %gather3A_453 : vector<16xf32>
    %select_n3A_455 = arith.select %eq3A_385, %add3A_454, %select_n3A_382 : vector<16xi1>, vector<16xf32>
    %swap3A = arith.constant 0 : index
    %swap3A_456 = tpu.vector_load %arg11[%swap3A] {strides = array<i32>} : memref<16xf32, #tpu.memory_space<vmem>>, vector<16xf32>,
    %swap3A_457 = vector.shape_cast %swap3A_456 : vector<16xf32> to vector<16xf32>
    %swap3A_458 = vector.shape_cast %select_n3A_455 : vector<16xf32> to vector<16xf32>
    tpu.vector_store %arg11[%swap3A], %swap3A_458 {strides = array<i32>} : memref<16xf32, #tpu.memory_space<vmem>>, vector<16xf32>,
    "tpu.region"() ({
      %run_scoped3A = tpu.sem_alloc : memref<!tpu.dma_semaphore, #tpu.memory_space<semaphore_mem>>
      %dma_start3A_459 = arith.constant 0 : i32
      %dma_start3A_460 = tpu.memref_slice %arg6[%add3A, %dma_start3A_459] : memref<32x16xf32, #tpu.memory_space<hbm>> -> memref<1x16xf32, #tpu.memory_space<hbm>>
      %dma_start3A_461 = tpu.memref_squeeze %dma_start3A_460 : memref<1x16xf32, #tpu.memory_space<hbm>> -> memref<16xf32, #tpu.memory_space<hbm>>
      %dma_start3A_462 = arith.constant 0 : i32
      %dma_start3A_463 = tpu.memref_slice %arg6[%add3A, %dma_start3A_462] : memref<32x16xf32, #tpu.memory_space<hbm>> -> memref<1x16xf32, #tpu.memory_space<hbm>>
      %dma_start3A_464 = tpu.memref_squeeze %dma_start3A_463 : memref<1x16xf32, #tpu.memory_space<hbm>> -> memref<16xf32, #tpu.memory_space<hbm>>
      tpu.enqueue_dma source(%arg11 : memref<16xf32, #tpu.memory_space<vmem>>) target(%dma_start3A_464 : memref<16xf32, #tpu.memory_space<hbm>>) target_semaphore(%run_scoped3A : memref<!tpu.dma_semaphore, #tpu.memory_space<semaphore_mem>>)
      %dma_wait3A_465 = arith.constant 0 : i32
      %dma_wait3A_466 = tpu.memref_slice %arg6[%add3A, %dma_wait3A_465] : memref<32x16xf32, #tpu.memory_space<hbm>> -> memref<1x16xf32, #tpu.memory_space<hbm>>
      %dma_wait3A_467 = tpu.memref_squeeze %dma_wait3A_466 : memref<1x16xf32, #tpu.memory_space<hbm>> -> memref<16xf32, #tpu.memory_space<hbm>>
      %dma_wait3A_468 = arith.constant 0 : i32
      %dma_wait3A_469 = tpu.memref_slice %arg6[%add3A, %dma_wait3A_468] : memref<32x16xf32, #tpu.memory_space<hbm>> -> memref<1x16xf32, #tpu.memory_space<hbm>>
      %dma_wait3A_470 = tpu.memref_squeeze %dma_wait3A_469 : memref<1x16xf32, #tpu.memory_space<hbm>> -> memref<16xf32, #tpu.memory_space<hbm>>
      tpu.wait_dma2 semaphore(%run_scoped3A : memref<!tpu.dma_semaphore, #tpu.memory_space<semaphore_mem>>) src(%arg11 : memref<16xf32, #tpu.memory_space<vmem>>) dst(%dma_wait3A_470 : memref<16xf32, #tpu.memory_space<hbm>>)
      tpu.yield
    }) : () -> ()
    return
  }
}

module attributes {stable_mosaic.version = 14 : i64} {
  func.func @_combine_body(%arg0: memref<32x16xf32, #tpu.memory_space<vmem>>, %arg1: memref<16xf32, #tpu.memory_space<vmem>>, %arg2: memref<16xf32, #tpu.memory_space<vmem>>, %arg3: memref<16xf32, #tpu.memory_space<vmem>>, %arg4: memref<16xi32, #tpu.memory_space<vmem>>) attributes {dimension_semantics = [], scalar_prefetch = 0 : i64, scratch_operands = 0 : i64, tpu.core_type = #tpu.core_type<tc>} {
    %get3A = arith.constant 0 : index
    %get3A_0 = arith.constant 0 : index
    %get3A_1 = vector.load %arg0[%get3A, %get3A_0] : memref<32x16xf32, #tpu.memory_space<vmem>>, vector<32x16xf32>
    %reshape3A = vector.shape_cast %get3A_1 : vector<32x16xf32> to vector<16x2x16xf32>
    %reduce_sum3A = arith.constant dense<0.000000e+00> : vector<16x16xf32>
    %reduce_sum3A_2 = vector.multi_reduction <add>, %reshape3A, %reduce_sum3A [1] : vector<16x2x16xf32> to vector<16x16xf32>
    %slice3A = vector.extract_strided_slice %reduce_sum3A_2 {offsets = [0, 0], sizes = [16, 1], strides = [1, 1]} : vector<16x16xf32> to vector<16x1xf32>
    %squeeze3A = vector.shape_cast %slice3A : vector<16x1xf32> to vector<16xf32>
    %slice3A_3 = vector.extract_strided_slice %reduce_sum3A_2 {offsets = [0, 1], sizes = [16, 1], strides = [1, 1]} : vector<16x16xf32> to vector<16x1xf32>
    %squeeze3A_4 = vector.shape_cast %slice3A_3 : vector<16x1xf32> to vector<16xf32>
    %slice3A_5 = vector.extract_strided_slice %reduce_sum3A_2 {offsets = [0, 2], sizes = [16, 1], strides = [1, 1]} : vector<16x16xf32> to vector<16x1xf32>
    %squeeze3A_6 = vector.shape_cast %slice3A_5 : vector<16x1xf32> to vector<16xf32>
    %slice3A_7 = vector.extract_strided_slice %reduce_sum3A_2 {offsets = [0, 3], sizes = [16, 1], strides = [1, 1]} : vector<16x16xf32> to vector<16x1xf32>
    %squeeze3A_8 = vector.shape_cast %slice3A_7 : vector<16x1xf32> to vector<16xf32>
    %slice3A_9 = vector.extract_strided_slice %reduce_sum3A_2 {offsets = [0, 4], sizes = [16, 1], strides = [1, 1]} : vector<16x16xf32> to vector<16x1xf32>
    %squeeze3A_10 = vector.shape_cast %slice3A_9 : vector<16x1xf32> to vector<16xf32>
    %swap3A = arith.constant 0 : index
    %swap3A_11 = vector.load %arg1[%swap3A] : memref<16xf32, #tpu.memory_space<vmem>>, vector<16xf32>
    tpu.vector_store %arg1[%swap3A], %squeeze3A_4 {strides = array<i32>} : memref<16xf32, #tpu.memory_space<vmem>>, vector<16xf32>,
    %mul3A = arith.mulf %squeeze3A, %squeeze3A_6 : vector<16xf32>
    %div3A = arith.divf %mul3A, %squeeze3A_8 : vector<16xf32>
    %swap3A_12 = arith.constant 0 : index
    %swap3A_13 = vector.load %arg2[%swap3A_12] : memref<16xf32, #tpu.memory_space<vmem>>, vector<16xf32>
    tpu.vector_store %arg2[%swap3A_12], %div3A {strides = array<i32>} : memref<16xf32, #tpu.memory_space<vmem>>, vector<16xf32>,
    %swap3A_14 = arith.constant 0 : index
    %swap3A_15 = vector.load %arg3[%swap3A_14] : memref<16xf32, #tpu.memory_space<vmem>>, vector<16xf32>
    tpu.vector_store %arg3[%swap3A_14], %squeeze3A_10 {strides = array<i32>} : memref<16xf32, #tpu.memory_space<vmem>>, vector<16xf32>,
    %convert_element_type3A = arith.fptosi %squeeze3A : vector<16xf32> to vector<16xi32>
    %swap3A_16 = arith.constant 0 : index
    %swap3A_17 = vector.load %arg4[%swap3A_16] : memref<16xi32, #tpu.memory_space<vmem>>, vector<16xi32>
    tpu.vector_store %arg4[%swap3A_16], %convert_element_type3A {strides = array<i32>} : memref<16xi32, #tpu.memory_space<vmem>>, vector<16xi32>,
    return
  }
}

</mosaic_0001>

<sc_bundles>
// kernel: _run.4.cloned.1.call-start
scs
__scs_entry_jumppad:
0x0: {  	(pc) =	sbr.rel $0x88, $3  }
0x1: {  	(tag) =	ssettag $0x0;
	lr =	simm.s32 $0x1  }
0x2: {  	[smem:$0x3F9D] =	sst lr;
	_ =	strace $0xD0000000  }
0x3: {  	_ = 	snop  }
0x4: {  	_ = 	snop  }
0x5: {  	_ = 	snop  }
0x6: {  	_ = 	snop  }
0x7: {  	_ = 	snop  }
__scs_overlays_trampoline_lowered:
0x8: {  	[smem:$0x3FAC] =	sst s0  }
0x9: {  	[smem:$0x3FAD] =	sst s1  }
0xa: {  	[smem:$0x3FAE] =	sst s2  }
0xb: {  	[smem:$0x3FAF] =	sst s3  }
0xc: {  	[smem:$0x3FB0] =	sst s4  }
0xd: {  	[smem:$0x3FB1] =	sst s5  }
0xe: {  	[smem:$0x3FB2] =	sst s6  }
0xf: {  	[smem:$0x3FB3] =	sst s7  }
0x10: {  	[smem:$0x3FB4] =	sst s8  }
0x11: {  	[smem:$0x3FB5] =	sst s9;
	s0 =	simm.s32 @!p0 $0x0  }
0x12: {  	s1 =	sld [smem:$0x3F9B];
	s0 =	simm.s32 @p0 $0x1  }
0x13: {  	[smem:$0x3FB6] =	sst s0;
	s0 =	simm.s32 @!p1 $0x0  }
0x14: {  	s2 =	sld [smem:$0x3F9A];
	s0 =	simm.s32 @p1 $0x1  }
0x15: {  	[smem:$0x3FB7] =	sst s0;
	s0 =	simm.s32 @!p2 $0x0  }
0x16: {  	s3 =	sld [smem:$0x3FDB];
	s0 =	simm.s32 @p2 $0x1  }
0x17: {  	s4 =	simm.s32 $0x1BF5;
	[smem:$0x3FB9] =	sst s0  }
0x18: {  	s0 =	sld [smem:$0x3F9C];
	_ =	swait.ge [sflag:s4], $0x0  }
0x19: {  	s7 =	sld [smem:$0x3F9D]  }
0x1a: {  	s8 =	sadd.s32 $0xFFFFE003, lr  }
0x1b: {  	s9 =	sadd.s32 $0xFFFFFEF7, lr;
	s5 =	simm.s32 $0xFFFFFFFF;
	p2 =	slt.u32 s8, $0xFFFFF086  }
0x1c: {  	p1 =	slt.u32 s9, $0xF7A;
	s5 =	simm.s32 @!p2 $0x0  }
0x1d: {  	s5 =	simm.s32 @p1 $0x1;
	p0 =	seq.s32 s7, s2  }
0x1e: {  	s7 =	smul.u32 @!p0 $0xF7A, s2;
	p2 =	seq.s32 @!p0 s5, $0x0  }
0x1f: {  	s9 =	smul.u32 $0xF7A, s1;
	s8 =	simm.s32 @!p0 $0x1BF5;
	p2 =	por !p2, p0  }
0x20: {  	[sflag:s8] =	ssyncset.s32 @!p0 $0xFFFFF086;
	s6 =	sadd.s32 @!p0 s3, s7;
	s7 =	simm.s32 @!p0 $0x108  }
0x21: {  	s3 =	sadd.s32 s3, s9;
	s6 =	sadd.s32 @!p0 $0x88, s6;
	s7 =	simm.s32 @p2 $0x1082  }
0x22: {  	[simem:s7], [sflag:s8] =	dma.local @!p0 [hbm:s6], $0xF7A  }
0x23: {  	s9 =	sor.u32 $0xD0000000, s2;
	s6 =	simm.s32 $0x108;
	_ =	swait.ge @!p0 [sflag:s8], $0x0  }
0x24: {  	s3 =	sadd.s32 $0x88, s3;
	s6 =	simm.s32 @!p1 $0x1082;
	[sflag:s4] =	ssyncset.s32 $0xFFFFF086  }
0x25: {  	[simem:s6], [sflag:s4] =	dma.local [hbm:s3], $0xF7A  }
0x26: {  	[smem:$0x3F9D] =	sst s1;
	(tag) =	ssettag s2;
	_ =	strace s9  }
0x27: {  	s1 =	sld [smem:$0x3FAD]  }
0x28: {  	s2 =	sld [smem:$0x3FAE]  }
0x29: {  	s4 =	sld [smem:$0x3FB0]  }
0x2a: {  	p0 =	seq.s32 s5, $0x0;
	s5 =	sld [smem:$0x3FB1]  }
0x2b: {  	s6 =	sld [smem:$0x3FB2]  }
0x2c: {  	s7 =	sld [smem:$0x3FB3]  }
0x2d: {  	s3 =	simm.s32 $0x108;
	s8 =	sld [smem:$0x3FB4]  }
0x2e: {  	s3 =	simm.s32 @!p0 $0x1082;
	s9 =	sld [smem:$0x3FB5]  }
0x2f: {  	lr =	sadd.s32 s0, s3;
	s0 =	sld [smem:$0x3FAC]  }
0x30: {  	s3 =	sld [smem:$0x3FAF]  }
0x31: {  	[smem:$0x3FB8] =	sst s10  }
0x32: {  	s10 =	sld [smem:$0x3FB6];
	_ =	sdelay $0x3  }
0x33: {  	p0 =	seq.s32 s10, $0x1;
	s10 =	sld [smem:$0x3FB8];
	_ =	sdelay $0x3  }
0x34: {  	[smem:$0x3FB8] =	sst s10  }
0x35: {  	s10 =	sld [smem:$0x3FB7];
	_ =	sdelay $0x3  }
0x36: {  	p1 =	seq.s32 s10, $0x1;
	s10 =	sld [smem:$0x3FB8];
	_ =	sdelay $0x3  }
0x37: {  	[smem:$0x3FB8] =	sst s10  }
0x38: {  	s10 =	sld [smem:$0x3FB9]  }
0x39: {  	_ = 	snop;
	(pc) =	sbr.ind lr, $3  }
0x3a: {  	_ = 	snop  }
0x3b: {  	_ = 	snop  }
0x3c: {  	p2 =	seq.s32 s10, $0x1;
	s10 =	sld [smem:$0x3FB8]  }
0x3d: {  	_ =	shalt  }
0x3e: {  	_ =	shalt  }
0x3f: {  	_ =	shalt  }
0x40: {  	_ =	shalt  }
0x41: {  	_ =	shalt  }
0x42: {  	_ =	shalt  }
0x43: {  	_ =	shalt  }
0x44: {  	_ =	shalt  }
0x45: {  	_ =	shalt  }
0x46: {  	_ =	shalt  }
0x47: {  	_ =	shalt  }
0x48: {  	_ =	shalt  }
0x49: {  	_ =	shalt  }
0x4a: {  	_ =	shalt  }
0x4b: {  	_ =	shalt  }
0x4c: {  	_ =	shalt  }
0x4d: {  	_ =	shalt  }
0x4e: {  	_ =	shalt  }
0x4f: {  	_ =	shalt  }
0x50: {  	_ =	shalt  }
0x51: {  	_ =	shalt  }
0x52: {  	_ =	shalt  }
0x53: {  	_ =	shalt  }
0x54: {  	_ =	shalt  }
0x55: {  	_ =	shalt  }
0x56: {  	_ =	shalt  }
0x57: {  	_ =	shalt  }
0x58: {  	_ =	shalt  }
0x59: {  	_ =	shalt  }
0x5a: {  	_ =	shalt  }
0x5b: {  	_ =	shalt  }
0x5c: {  	_ =	shalt  }
0x5d: {  	_ =	shalt  }
0x5e: {  	_ =	shalt  }
0x5f: {  	_ =	shalt  }
0x60: {  	_ =	shalt  }
0x61: {  	_ =	shalt  }
0x62: {  	_ =	shalt  }
0x63: {  	_ =	shalt  }
0x64: {  	_ =	shalt  }
0x65: {  	_ =	shalt  }
0x66: {  	_ =	shalt  }
0x67: {  	_ =	shalt  }
0x68: {  	_ =	shalt  }
0x69: {  	_ =	shalt  }
0x6a: {  	_ =	shalt  }
0x6b: {  	_ =	shalt  }
0x6c: {  	_ =	shalt  }
0x6d: {  	_ =	shalt  }
0x6e: {  	_ =	shalt  }
0x6f: {  	_ =	shalt  }
0x70: {  	_ =	shalt  }
0x71: {  	_ =	shalt  }
0x72: {  	_ =	shalt  }
0x73: {  	_ =	shalt  }
0x74: {  	_ =	shalt  }
0x75: {  	_ =	shalt  }
0x76: {  	_ =	shalt  }
0x77: {  	_ =	shalt  }
0x78: {  	_ =	shalt  }
0x79: {  	_ =	shalt  }
0x7a: {  	_ =	shalt  }
0x7b: {  	_ =	shalt  }
0x7c: {  	_ =	shalt  }
0x7d: {  	_ =	shalt  }
0x7e: {  	_ =	shalt  }
0x7f: {  	_ =	shalt  }
0x80: {  	_ =	shalt  }
0x81: {  	_ =	shalt  }
0x82: {  	_ =	shalt  }
0x83: {  	_ =	shalt  }
0x84: {  	_ =	shalt  }
0x85: {  	_ =	shalt  }
0x86: {  	_ =	shalt  }
0x87: {  	_ =	shalt  }
.Lfunc_end0:
.L_simem_size_0:
called_computation_lowered:
.L_overlay_start_0:
0x88: {  	s2 =	sld [smem:$0x3FD9]  }
0x89: {  	s3 =	sld [smem:$0x3FFE];
	_ =	sdelay $0x1  }
0x8a: {  	s1 =	srdreg.scid  }
0x8b: {  	s0 =	sand.u32 $0x1, s1  }
0x8c: {  	s17 =	sshll.u32 s0, $0xA;
	s2 =	sadd.s32 s3, s2  }
0x8d: {  	s2 =	sadd.s32 s2, s17  }
0x8e: {  	[smem:$0x3FC4] =	sst s2  }
0x8f: {  	_ = 	snop  }
0x90: {  	s2 =	sld [smem:$0x3FC8]  }
0x91: {  	s18 =	sld [smem:$0x3FC7]  }
0x92: {  	s4 =	sld [smem:$0x3FC6];
	(tm) =	ssettm $0x1  }
0x93: {  	s5 =	sld [smem:$0x3FFB];
	_ =	sdelay $0x3  }
0x94: {  	_ =	strace s5  }
0x95: {  	s5 =	sld [smem:$0x3FFC];
	_ =	sdelay $0x3  }
0x96: {  	_ =	strace s5  }
0x97: {  	s5 =	sld [smem:$0x3FFD];
	_ =	sdelay $0x3  }
0x98: {  	_ =	strace s5  }
0x99: {  	_ =	strace $0x8FFFFFFF  }
0x9a: {  	s19 =	sld [smem:$0x3FDB];
	_ =	sdelay $0x1  }
0x9b: {  	s6 =	simm.s32 $_scs_section_size  }
0x9c: {  	s7 =	simm.s32 $_size__tile_overlayer_lowered;
	s8 =	simm.s32 $_tile_overlayer_lowered  }
0x9d: {  	s22 =	simm.s32 $0x1BFF;
	s21 =	sshll.u32 s8, $0x1;
	s5 =	sadd.s32 s6, s19  }
0x9e: {  	s9 =	simm.s32 $0x0;
	s20 =	sshll.u32 s7, $0x1;
	s7 =	sadd.s32 s21, s5  }
0x9f: {  	[timem:s9], [sflag:s22] =	dma.local [hbm:s7], s20  }
0xa0: {  	_ =	swait.ge [sflag:s22], s20  }
0xa1: {  	s6 =	ssub.s32 $0x0, s20;
	[sflag:s22] =	ssyncset.done $0x0  }
0xa2: {  	[sflag:s22] =	ssyncadd.s32 s6;
	_ =	sdelay $0x1  }
0xa3: {  	s23 =	simm.s32 $0x1B8B  }
0xa4: {  	_ =	swait.ge [sflag:s23], $0x1  }
0xa5: {  	[sflag:s23] =	ssyncset.done $0x0  }
0xa6: {  	s25 =	simm.s32 $0x1B8E;
	s24 =	sld [smem:$0x3FFE];
	[sflag:s23] =	ssyncadd.s32 $0xFFFFFFFF  }
0xa7: {  	s26 =	simm.s32 $execute0_lowered;
	[smem:$0x3FD2] =	sst s25  }
0xa8: {  	s7 =	sshll.u32 s26, $0x1;
	_ =	strace $0x80000046;
	[dreg:$0x1] =	wrdreg $0xFFFFFFFF  }
0xa9: {  	s28 =	simm.s32 $_size_execute0_lowered;
	s5 =	sadd.s32 s5, s7;
	[dreg:$0x0] =	wrdreg $0x0  }
0xaa: {  	s7 =	sshll.u32 s28, $0x1;
	[dreg:$0x2] =	wrdreg s5  }
0xab: {  	[dreg:$0x3] =	wrdreg s7  }
0xac: {  	[dreg:$0x4] =	wrdreg $0xC0  }
0xad: {  	_ =	task [dreg:s9], $0x5FFFF  }
0xae: {  	[dreg:$0x1] =	wrdreg $0xFFFFFFFF  }
0xaf: {  	[dreg:$0x0] =	wrdreg $0x60  }
0xb0: {  	[dreg:$0x2] =	wrdreg s24  }
0xb1: {  	[dreg:$0x3] =	wrdreg s2  }
0xb2: {  	[dreg:$0x4] =	wrdreg s18  }
0xb3: {  	[dreg:$0x5] =	wrdreg s4  }
0xb4: {  	[dreg:$0x6] =	wrdreg $0x9  }
0xb5: {  	_ =	task.clear_ibuf [dreg:s9], $0x7FFFF;
	_ =	strace $0x90000046  }
0xb6: {  	s29 =	simm.s32 $0x9;
	_ =	strace $0x80000048  }
0xb7: {  	_ =	swait.ge [sflag:s29], $0x1  }
0xb8: {  	[sflag:s29] =	ssyncadd.s32 $0xFFFFFFFF  }
0xb9: {  	_ =	strace $0x90000048  }
0xba: {  	_ =	sfence  }
0xbb: {  	s30 =	sld [smem:$0x0];
	_ =	sdelay $0x2  }
0xbc: {  	s31 =	sshll.u32 s1, $0xD;
	s1 =	sshrl.u32 s1, $0x2  }
0xbd: {  	s3 =	sand.u32 $0x4000, s31;
	s1 =	sadd.s32 s1, s30  }
0xbe: {  	s0 =	sor.u32 s3, s0;
	s1 =	sshll.u32 s1, $0x11  }
0xbf: {  	s0 =	sor.u32 s1, s0  }
0xc0: {  	s0 =	sadd.s32 $0x8F2B, s0  }
0xc1: {  	[sflag:s0] =	ssyncadd.remote.s32 $0x1  }
0xc2: {  	_ =	sfence.sel $0xFFFF  }
0xc3: {  	[dreg:$0x0] =	wrdreg $0xFFFFFFFF;
	(pc) =	sbr.abs _section_cstart, $3  }
0xc4: {  	[dreg:$0x1] =	wrdreg $0xFFFFFFFF  }
0xc5: {  	_ =	task.clear_ibuf [dreg:s9], $0x2FFFF;
	_ =	strace $0x9FFFFFFF  }
0xc6: {  	(tm) =	ssettm $0x7FFFFFFF  }
0xc7: {  	_ =	shalt  }
tec
execute0_lowered:
.L_overlay_start_1:
0x0: {  	(tag) =	ssettag $0x1  }
0x1: {  	s3 =	srdreg.scid;
	s0 =	stileid.u32  }
0x2: {  	v0 =	vimm.s32 $0x3210FEDC;
	v1 =	vimm.s32 $0xBA987654;
	v4 =	vimm.s32 $0xFEDCBA98;
	s1 =	sshll.u32 s3, $0x3;
	s2 =	sshrl.u32 s0, $0x1  }
0x3: {  	v5 =	vimm.s32 $0x10FEDCBA;
	v3 =	vunpack.c.l.s4.s8 v0;
	v1 =	vunpack.c.l.s4.s8 v1;
	s1 =	sor.u32 s2, s1  }
0x4: {  	s6 =	rddreg [dreg:$0x0];
	v7 =	vimm.s32 $0x87654321;
	vm0 =	vmmov $0x1;
	v2 =	vmov s1  }
0x5: {  	s4 =	rddreg [dreg:$0x3];
	v1 =	vunpack.c.0.s8.s32 v1;
	v0 =	vand.u32 $0xF, v2;
	v2 =	vunpack.c.0.s8.s32 v3  }
0x6: {  	s5 =	simm.s32 $0x0;
	s12 =	simm.s32 $0x2100;
	vm1 =	vcmask $0x314;
	s13 =	simm.s32 $0x1;
	vm2 =	vcmask $0x714;
	vm3 =	vcmask $0xB14  }
0x7: {  	s14 =	simm.s32 $0x2180;
	s7 =	sand.u32 $0x1, s3;
	s3 =	rddreg [dreg:$0x4];
	v4 =	vunpack.c.l.s4.s8 v4;
	v7 =	vunpack.c.l.s4.s8 v7;
	v6 =	vcombine.low v1, v2  }
0x8: {  	s15 =	simm.s32 $0x0;
	[smem:$0x7FF] =	sst s5;
	s10 =	sshll.u32 s0, $0x4;
	v1 =	vunpack.c.l.s4.s8 v5;
	v2 =	vimm.s32 $0x98765432;
	v5 =	vimm.s32 $0xFEDCBA9  }
0x9: {  	s2 =	rddreg [dreg:$0x2];
	s8 =	sshll.u32 s7, $0x4;
	s10 =	sand.u32 $0x70, s10;
	v3 =	vimm.s32 $0x76543210;
	v2 =	vunpack.c.l.s4.s8 v2;
	v5 =	vunpack.c.l.s4.s8 v5  }
0xa: {  	s7 =	ssub.s32 $0x2, s7;
	s1 =	rddreg [dreg:$0x1];
	s8 =	sor.u32 s0, s8;
	v4 =	vunpack.c.0.s8.s32 v4;
	v7 =	vunpack.c.0.s8.s32 v7;
	v3 =	vunpack.c.l.s4.s8 v3  }
0xb: {  	_ =	strace $0x80000047;
	s10 =	sadd.s32 s10, s6;
	s9 =	sshll.u32 s8, $0xA;
	v1 =	vunpack.c.0.s8.s32 v1;
	v2 =	vunpack.c.0.s8.s32 v2;
	v5 =	vunpack.c.0.s8.s32 v5  }
0xc: {  	vm4 =	vcmask $0xF14;
	s30 =	sshrl.u32 s7, $0x1;
	s8 =	sshll.u32 s8, $0x4;
	v0 =	vbroadcast v0, $0x0;
	s9 =	sadd.s32 s9, s6;
	v3 =	vunpack.c.0.s8.s32 v3  }
0xd: {  	s11 =	ssub.s32 s7, s30;
	s8 =	sand.u32 $0x180, s8;
	v4 =	vand.u32 $0xF, v4;
	s6 =	sadd.s32 $0x600, s9;
	v8 =	vcombine.low v2, v1;
	v7 =	vcombine.low v7, v5  }
0xe: {  	s31 =	sadd.s32 s8, s10;
	s8 =	smax.u32 s11, $0x1;
	s9 =	simm.s32 $0x2000;
	v3 =	vcombine.low v4, v3;
	v4 =	vand.u32 $0xF, v6;
	v1 =	vimm.f32 $0.0e+00  }
0xf: {  	s10 =	simm.s32 $0x2;
	s11 =	simm.s32 $0x2080;
	s7 =	sadd.s32 $0x8600, s31;
	v2 =	vimm.s32 $0xFFFFFF81;
	v5 =	vand.u32 $0xF, v8;
	v6 =	vand.u32 $0xF, v7  }
.LBB2_1:
0x10: {  	[tilespmem:s5], [sflag:$0x1] =	stream.linear.gather [hbm4b:s6+s5], $0x2000, $0x38;
	[tilespmem:$0x2200] =	vst v63  }
0x11: {  	_ = 	snop  }
0x12: {  	[tilespmem:s9], [sflag:$0x2] =	stream.linear.gather [hbm4b:s1+s5], $0x80, $0x38;
	[tilespmem:$0x2200] =	vst v63  }
0x13: {  	_ =	swait.ge [sflag:s10], $0x80  }
0x14: {  	[sflag:s10] =	ssyncset.done $0x0  }
0x15: {  	[sflag:s10] =	ssyncadd.s32 $0xFFFFFF80  }
0x16: {  	[tilespmem:s11], [sflag:$0x2] =	stream.linear.gather [hbm4b:s2+s5], $0x80, $0x38;
	[tilespmem:$0x2200] =	vst v63  }
0x17: {  	_ =	swait.ge [sflag:s10], $0x80  }
0x18: {  	[sflag:s10] =	ssyncset.done $0x0  }
0x19: {  	[sflag:s10] =	ssyncadd.s32 $0xFFFFFF80  }
0x1a: {  	[tilespmem:s12], [sflag:$0x2] =	stream.linear.gather [hbm4b:s4+s5], $0x80, $0x38;
	[tilespmem:$0x2200] =	vst v63  }
0x1b: {  	_ =	swait.ge [sflag:s10], $0x80  }
0x1c: {  	[sflag:s10] =	ssyncset.done $0x0  }
0x1d: {  	[sflag:s10] =	ssyncadd.s32 $0xFFFFFF80  }
0x1e: {  	v7 =	vld [tilespmem:$0x2100]  }
0x1f: {  	v10 =	vld [tilespmem:$0x2080];
	_ =	sdelay $0x3  }
0x20: {  	v7 =	vmul.f32 $1.177218250e+01, v7  }
0x21: {  	v8 =	vsub.f32 $0.0e+00, v10  }
0x22: {  	v7 =	vmul.f32 $1.442695020e+00, v7  }
0x23: {  	v8 =	vmul.f32 $1.442695020e+00, v8  }
0x24: {  	(erf) = vpow2.f32 v7  }
0x25: {  	(erf) = vpow2.f32 v8;
	_ =	sdelay $0x7  }
0x26: {  	v7 =	vpop (erf)  }
0x27: {  	v7 =	vmul.f32 $2.350442950e-09, v7;
	v8 =	vpop (erf)  }
0x28: {  	v8 =	vsub.f32 $1.000000000e+00, v8  }
0x29: {  	v7 =	vperm.xlane v7, v0  }
0x2a: {  	(erf) = vrcp.f32 v8  }
0x2b: {  	(erf) = vrcp.f32 v7;
	_ =	sdelay $0x7  }
0x2c: {  	v11 =	vpop (erf)  }
0x2d: {  	v8 =	vpop (erf)  }
0x2e: {  	v12 =	vld [tilespmem:$0x2000];
	_ =	swait.ge [sflag:s13], $0x2000  }
0x2f: {  	s16 =	sand.u32 $0x70, s5;
	s17 =	sand.u32 $0x1C00, s5;
	[sflag:s13] =	ssyncset.done $0x0  }
0x30: {  	s16 =	sor.u32 s16, s17;
	[sflag:s13] =	ssyncadd.s32 $0xFFFFE000  }
0x31: {  	v9 =	vld [tilespmem:s16+$0x180]  }
0x32: {  	v13 =	vld [tilespmem:s16+$0x200]  }
0x33: {  	v14 =	vld [tilespmem:s16+$0x80]  }
0x34: {  	v15 =	vld [tilespmem:s16+$0x0]  }
0x35: {  	v16 =	vld [tilespmem:s16+$0x280]  }
0x36: {  	v17 =	vld [tilespmem:s16+$0x100];
	_ =	sdelay $0x2  }
0x37: {  	v13 =	vsub.f32 v14, v13;
	v9 =	vsub.f32 v15, v9;
	_ =	sdelay $0x1  }
0x38: {  	v14 =	vsub.f32 v17, v16;
	v9 =	vmul.f32 v9, v9;
	v13 =	vmul.f32 v13, v13;
	_ =	sdelay $0x1  }
0x39: {  	v9 =	vadd.f32 v13, v9;
	v13 =	vmul.f32 v14, v14;
	_ =	sdelay $0x1  }
0x3a: {  	v14 =	vperm.xlane v10, v0;
	v15 =	vadd.f32 v13, v9;
	_ =	sdelay $0x1  }
0x3b: {  	v9 =	vsub.f32 $0.0e+00, v14;
	v13 =	vmul.f32 v15, v8;
	_ =	sdelay $0x1  }
0x3c: {  	s25 =	simm.s32 $0x10;
	s26 =	simm.s32 $0x80;
	v14 =	vmul.f32 v13, v9  }
0x3d: {  	s17 =	sand.u32 $0x1C00, s26;
	s16 =	sand.u32 $0x70, s25  }
0x3e: {  	s16 =	sor.u32 s16, s17;
	v14 =	vmul.f32 $1.442695020e+00, v14  }
0x3f: {  	v18 =	vld [tilespmem:s16+$0x0]  }
0x40: {  	v16 =	vld [tilespmem:s16+$0x200];
	(erf) = vpow2.f32 v14  }
0x41: {  	v17 =	vld [tilespmem:s16+$0x80]  }
0x42: {  	v10 =	vmul.f32 v10, v12;
	v14 =	vld [tilespmem:s16+$0x180]  }
0x43: {  	v19 =	vld [tilespmem:s16+$0x280]  }
0x44: {  	v20 =	vld [tilespmem:s16+$0x100];
	v10 =	vmul.f32 v11, v10;
	v13 =	vmax.f32 v13, $9.999999680e-21  }
0x45: {  	v11 =	vperm.xlane v12, v0;
	v12 =	vshra.s32 v13, $0x1;
	v21 =	vmul.f32 $5.000000000e-01, v13  }
0x46: {  	v12 =	vsub.s32 $0x5F3759DF, v12  }
0x47: {  	v16 =	vsub.f32 v17, v16;
	v14 =	vsub.f32 v18, v14;
	v18 =	vmul.f32 v12, v21  }
0x48: {  	v10 =	vperm.xlane v10, v0  }
0x49: {  	v19 =	vsub.f32 v20, v19;
	v16 =	vmul.f32 v16, v16;
	v18 =	vmul.f32 v12, v18;
	v17 =	vpop (erf)  }
0x4a: {  	v11 =	vsub.f32 $1.000000000e+00, v11;
	v14 =	vmul.f32 v14, v14;
	v17 =	vmul.f32 v17, v10  }
0x4b: {  	v18 =	vsub.f32 $1.500000000e+00, v18  }
0x4c: {  	v14 =	vadd.f32 v16, v14;
	v16 =	vmul.f32 v19, v19;
	v20 =	vadd.f32 v17, v11  }
0x4d: {  	v12 =	vmul.f32 v12, v18  }
0x4e: {  	v16 =	vadd.f32 v16, v14;
	v19 =	vand.u32 $0x7FFFFF, v20  }
0x4f: {  	v21 =	vmul.f32 v12, v21;
	v14 =	vor.u32 $0x3F800000, v19  }
0x50: {  	v19 =	vmul.f32 v16, v8;
	v18 =	vmul.f32 $5.000000000e-01, v14  }
0x51: {  	s28 =	simm.s32 $0x20;
	s29 =	simm.s32 $0x100;
	v21 =	vmul.f32 v21, v12;
	vm5 =	vgt.f32 v14, $1.414213540e+00  }
0x52: {  	s17 =	sand.u32 $0x1C00, s29;
	s16 =	sand.u32 $0x70, s28;
	v14 =	vsel vm5, v18, v14;
	v18 =	vmul.f32 v19, v9  }
0x53: {  	s16 =	sor.u32 s16, s17;
	v21 =	vsub.f32 $1.500000000e+00, v21;
	v22 =	vadd.f32 $1.000000000e+00, v14  }
0x54: {  	v23 =	vld [tilespmem:s16+$0x200];
	v18 =	vmul.f32 $1.442695020e+00, v18  }
0x55: {  	v24 =	vld [tilespmem:s16+$0x80];
	v19 =	vmax.f32 v19, $9.999999680e-21;
	v12 =	vmul.f32 v21, v12;
	(erf) = vrcp.f32 v22  }
0x56: {  	v21 =	vshra.s32 v19, $0x1;
	v22 =	vmul.f32 $5.000000000e-01, v19;
	(erf) = vpow2.f32 v18  }
0x57: {  	v25 =	vld [tilespmem:s16+$0x0];
	v21 =	vsub.s32 $0x5F3759DF, v21  }
0x58: {  	v12 =	vmul.f32 v12, v13;
	v18 =	vld [tilespmem:s16+$0x180];
	v13 =	vmul.f32 v21, v22  }
0x59: {  	v26 =	vld [tilespmem:s16+$0x280]  }
0x5a: {  	v27 =	vld [tilespmem:s16+$0x100];
	v23 =	vsub.f32 v24, v23;
	v12 =	vmul.f32 $-2.000000000e+00, v12;
	v13 =	vmul.f32 v21, v13;
	_ =	sdelay $0x1  }
0x5b: {  	v23 =	vmul.f32 v23, v23;
	v30 =	vmul.f32 $1.442695020e+00, v12;
	v12 =	vsub.f32 $1.500000000e+00, v13  }
0x5c: {  	v14 =	vadd.f32 $-1.000000000e+00, v14;
	(erf) = vrcp.f32 v20;
	v18 =	vsub.f32 v25, v18  }
0x5d: {  	v28 =	vshra.s32 v20, $0x17;
	v29 =	vsel vm5, $0xFFFFFF82, v2;
	v21 =	vmul.f32 v21, v12;
	v31 =	vpop (erf)  }
0x5e: {  	v12 =	vsub.f32 v27, v26;
	v18 =	vmul.f32 v18, v18;
	v13 =	vpop (erf);
	v24 =	vmul.f32 v31, v14  }
0x5f: {  	v28 =	vadd.s32 v28, v29;
	v14 =	vmul.f32 v21, v22;
	v13 =	vmul.f32 v13, v10  }
0x60: {  	v25 =	vcvt.s32.f32 v28;
	v18 =	vadd.f32 v23, v18;
	v12 =	vmul.f32 v12, v12  }
0x61: {  	vm6 =	vlt.f32 v15, v7;
	v14 =	vmul.f32 v14, v21;
	v22 =	vadd.f32 v13, v11  }
0x62: {  	v25 =	vmul.f32 $6.931471820e-01, v25;
	v20 =	vmul.f32 v24, v24;
	v12 =	vadd.f32 v12, v18  }
0x63: {  	(erf) = vpow2.f32 v30;
	v14 =	vsub.f32 $1.500000000e+00, v14;
	v23 =	vand.u32 $0x7FFFFF, v22  }
0x64: {  	v27 =	vmul.f32 v12, v8;
	v18 =	vor.u32 $0x3F800000, v23;
	v23 =	vmul.f32 $1.428571490e-01, v20  }
0x65: {  	s30 =	simm.s32 $0x30;
	s31 =	simm.s32 $0x180;
	vm6 =	vmmov vm6;
	v29 =	vpop (erf);
	v14 =	vmul.f32 v14, v21;
	v26 =	vmul.f32 $5.000000000e-01, v18  }
0x66: {  	s17 =	sand.u32 $0x1C00, s31;
	s16 =	sand.u32 $0x70, s30;
	v17 =	vmul.f32 v29, v17;
	v15 =	vmul.f32 v27, v9;
	vm5 =	vgt.f32 v18, $1.414213540e+00  }
0x67: {  	s16 =	sor.u32 s16, s17;
	v23 =	vadd.f32 $2.000000030e-01, v23;
	v14 =	vmul.f32 v14, v19;
	v21 =	vsel vm5, v26, v18  }
0x68: {  	v32 =	vld [tilespmem:s16+$0x80];
	v15 =	vmul.f32 $1.442695020e+00, v15;
	v18 =	vmax.f32 v27, $9.999999680e-21;
	v26 =	vadd.f32 $1.000000000e+00, v21  }
0x69: {  	v29 =	vld [tilespmem:s16+$0x200];
	v23 =	vmul.f32 v23, v20;
	v19 =	vshra.s32 v18, $0x1;
	v28 =	vmul.f32 $5.000000000e-01, v18  }
0x6a: {  	v14 =	vmul.f32 $-2.000000000e+00, v14;
	v19 =	vsub.s32 $0x5F3759DF, v19;
	(erf) = vrcp.f32 v26  }
0x6b: {  	v26 =	vshra.s32 v22, $0x17;
	(erf) = vpow2.f32 v15;
	v15 =	vsel vm5, $0xFFFFFF82, v2  }
0x6c: {  	v30 =	vld [tilespmem:s16+$0x180];
	v31 =	vmul.f32 v19, v28;
	v15 =	vadd.s32 v26, v15;
	v26 =	vmul.f32 $1.442695020e+00, v14  }
0x6d: {  	v27 =	vld [tilespmem:s16+$0x280];
	v23 =	vadd.f32 $3.333333430e-01, v23;
	(erf) = vrcp.f32 v22;
	v14 =	vcvt.s32.f32 v15  }
0x6e: {  	v29 =	vsub.f32 v32, v29;
	v15 =	vmul.f32 v19, v31;
	(erf) = vpow2.f32 v26;
	v26 =	vld [tilespmem:s16+$0x0]  }
0x6f: {  	v24 =	vadd.f32 v24, v24;
	vm5 =	vgt.f32 v17, $9.499999880e-01;
	v22 =	vld [tilespmem:s16+$0x100];
	v20 =	vmul.f32 v23, v20  }
0x70: {  	v29 =	vmul.f32 v29, v29;
	vm5 =	vmand vm6, vm5;
	v33 =	vsub.f32 $1.500000000e+00, v15  }
0x71: {  	v17 =	vnsel vm5, $0x0, v17;
	v31 =	vsel vm6, $0x3F800000, v1;
	v20 =	vadd.f32 $1.000000000e+00, v20  }
0x72: {  	v34 =	vpop (erf);
	v15 =	vadd.f32 v17, v1;
	v17 =	vadd.f32 $-1.000000000e+00, v21;
	v21 =	vmul.f32 v19, v33  }
0x73: {  	vm5 =	vlt.f32 v16, v7;
	v24 =	vmul.f32 v20, v24;
	v19 =	vpop (erf);
	v26 =	vsub.f32 v26, v30  }
0x74: {  	v27 =	vsub.f32 v22, v27;
	v28 =	vmul.f32 v21, v28;
	v19 =	vmul.f32 v19, v17;
	v22 =	vpop (erf)  }
0x75: {  	v16 =	vadd.f32 v31, v1;
	v22 =	vmul.f32 v22, v10;
	v30 =	vmul.f32 v26, v26  }
0x76: {  	v31 =	vnsel vm6, $0x0, v34;
	v28 =	vmul.f32 v28, v21;
	v23 =	vmul.f32 v19, v19  }
0x77: {  	v27 =	vmul.f32 v27, v27;
	v26 =	vadd.f32 v22, v11;
	v29 =	vadd.f32 v29, v30  }
0x78: {  	v24 =	vadd.f32 v24, v25;
	v28 =	vsub.f32 $1.500000000e+00, v28;
	v62 =	vmul.f32 $1.428571490e-01, v23  }
0x79: {  	v17 =	vadd.f32 v31, v1;
	v30 =	vand.u32 $0x7FFFFF, v26;
	v20 =	vadd.f32 v27, v29  }
0x7a: {  	v33 =	vmul.f32 v28, v21;
	v32 =	vadd.f32 $2.000000030e-01, v62;
	v63 =	vor.u32 $0x3F800000, v30  }
0x7b: {  	v21 =	vnsel vm6, $0x0, v24;
	v30 =	vshra.s32 v26, $0x17;
	v25 =	vmul.f32 $5.000000000e-01, v63  }
0x7c: {  	vm7 =	vgt.f32 v63, $1.414213540e+00;
	v27 =	vmul.f32 v32, v23;
	v32 =	vmul.f32 v20, v8  }
0x7d: {  	v31 =	vmul.f32 v21, v31;
	v21 =	vadd.f32 v21, v1;
	v29 =	vpop (erf);
	v28 =	vsel vm7, v25, v63  }
0x7e: {  	s18 =	simm.s32 $0x40;
	s16 =	simm.s32 $0x200;
	v24 =	vpop (erf);
	v25 =	vimm.f32 $0.0e+00;
	v34 =	vmul.f32 v32, v9;
	v35 =	vadd.f32 $1.000000000e+00, v28  }
.LBB2_2:
0x7f: {  	v33 =	vmul.f32 v33, v18;
	s17 =	smov.u32 s18  }
0x80: {  	s19 =	sand.u32 $0x70, s18;
	s20 =	sand.u32 $0x1C00, s16;
	v18 =	vmax.f32 v32, $9.999999680e-21;
	v25 =	vadd.f32 v31, v25;
	vm6 =	vmmov vm5;
	s17 =	sadd.s32 $0x10, s18  }
0x81: {  	p0 =	sne.s32 s18, $0x3F0;
	s19 =	sor.u32 s19, s20;
	v31 =	vshra.s32 v18, $0x1;
	v32 =	vmul.f32 $1.442695020e+00, v34;
	(erf) = vrcp.f32 v35  }
0x82: {  	v31 =	vsub.s32 $0x5F3759DF, v31;
	v35 =	vmul.f32 $5.000000000e-01, v18;
	v33 =	vmul.f32 $-2.000000000e+00, v33;
	v34 =	vld [tilespmem:s19+$0x280]  }
0x83: {  	v29 =	vmul.f32 v29, v13;
	v13 =	vmovc v22;
	v36 =	vld [tilespmem:s19+$0x180];
	(erf) = vpow2.f32 v32;
	v32 =	vsel vm7, $0xFFFFFF82, v2  }
0x84: {  	v37 =	vmul.f32 v31, v35;
	v33 =	vmul.f32 $1.442695020e+00, v33;
	v22 =	vld [tilespmem:s19+$0x200];
	v30 =	vadd.s32 v30, v32  }
0x85: {  	vm5 =	vgt.f32 v29, $9.499999880e-01;
	v32 =	vld [tilespmem:s19+$0x80];
	v30 =	vcvt.s32.f32 v30;
	(erf) = vrcp.f32 v26  }
0x86: {  	vm5 =	vmand vm6, vm5;
	v37 =	vmul.f32 v31, v37;
	v26 =	vld [tilespmem:s19+$0x100];
	(erf) = vpow2.f32 v33  }
0x87: {  	v27 =	vadd.f32 $3.333333430e-01, v27;
	v38 =	vsel vm6, $0x3F800000, v1;
	v29 =	vnsel vm5, $0x0, v29;
	v33 =	vld [tilespmem:s19+$0x0]  }
0x88: {  	v39 =	vmul.f32 $6.931471820e-01, v14;
	v15 =	vadd.f32 v29, v15;
	v37 =	vsub.f32 $1.500000000e+00, v37;
	v14 =	vmovc v30  }
0x89: {  	v28 =	vadd.f32 $-1.000000000e+00, v28;
	v16 =	vadd.f32 v38, v16;
	vm5 =	vlt.f32 v12, v7;
	v12 =	vmovc v20  }
0x8a: {  	v27 =	vmul.f32 v27, v23;
	v30 =	vmul.f32 v31, v37;
	v20 =	vsub.f32 v32, v22;
	v22 =	vpop (erf)  }
0x8b: {  	v31 =	vsub.f32 v26, v34;
	v26 =	vmul.f32 v22, v28;
	v34 =	vnsel vm6, $0x0, v24  }
0x8c: {  	v28 =	vmul.f32 v30, v35;
	v36 =	vsub.f32 v33, v36;
	v22 =	vpop (erf);
	v17 =	vadd.f32 v34, v17  }
0x8d: {  	v32 =	vadd.f32 v19, v19;
	v22 =	vmul.f32 v22, v10;
	v23 =	vmul.f32 v26, v26;
	v19 =	vmovc v26  }
0x8e: {  	v27 =	vadd.f32 $1.000000000e+00, v27;
	v20 =	vmul.f32 v20, v20;
	v33 =	vmul.f32 v36, v36;
	v29 =	vpop (erf)  }
0x8f: {  	v28 =	vmul.f32 v28, v30;
	v26 =	vadd.f32 v22, v11;
	v35 =	vmul.f32 $1.428571490e-01, v23;
	v24 =	vpop (erf)  }
0x90: {  	v27 =	vmul.f32 v27, v32;
	v31 =	vmul.f32 v31, v31;
	v20 =	vadd.f32 v20, v33  }
0x91: {  	v28 =	vsub.f32 $1.500000000e+00, v28;
	v32 =	vand.u32 $0x7FFFFF, v26;
	v33 =	vadd.f32 $2.000000030e-01, v35  }
.Ltmp0:
0x92: {  	v35 =	vadd.f32 v27, v39;
	v20 =	vadd.f32 v31, v20;
	v31 =	vor.u32 $0x3F800000, v32;
	(pc) =	sbr.rel @p0 .LBB2_2-.Ltmp0, $4  }
0x93: {  	vm7 =	vgt.f32 v31, $1.414213540e+00;
	v36 =	vmul.f32 $5.000000000e-01, v31;
	v27 =	vmul.f32 v33, v23  }
0x94: {  	v33 =	vmul.f32 v28, v30;
	v37 =	vnsel vm6, $0x0, v35;
	v32 =	vmul.f32 v20, v8  }
0x95: {  	v30 =	vshra.s32 v26, $0x17;
	v28 =	vsel vm7, v36, v31;
	v31 =	vmul.f32 v37, v34  }
0x96: {  	s16 =	sadd.s32 $0x80, s16;
	s18 =	smov.u32 s17;
	v21 =	vadd.f32 v37, v21;
	v34 =	vmul.f32 v32, v9;
	v35 =	vadd.f32 $1.000000000e+00, v28  }
0x97: {  	_ = 	snop  }
0x98: {  	v8 =	vmul.f32 $1.442695020e+00, v34  }
0x99: {  	(erf) = vrcp.f32 v35  }
0x9a: {  	(erf) = vpow2.f32 v8;
	_ =	sdelay $0x7  }
0x9b: {  	v8 =	vpop (erf)  }
0x9c: {  	v9 =	vpop (erf)  }
0x9d: {  	v9 =	vmul.f32 v9, v10;
	_ =	sdelay $0x1  }
0x9e: {  	v10 =	vadd.f32 v9, v11;
	_ =	sdelay $0x1  }
0x9f: {  	v46 =	vmul.f32 v33, v18;
	v47 =	vand.u32 $0x7FFFFF, v10  }
0xa0: {  	v18 =	vor.u32 $0x3F800000, v47  }
0xa1: {  	v32 =	vmax.f32 v32, $9.999999680e-21;
	v11 =	vmul.f32 $-2.000000000e+00, v46;
	v48 =	vmul.f32 $5.000000000e-01, v18  }
0xa2: {  	v49 =	vshra.s32 v32, $0x1;
	v50 =	vmul.f32 $5.000000000e-01, v32;
	vm6 =	vgt.f32 v18, $1.414213540e+00  }
0xa3: {  	v34 =	vsub.s32 $0x5F3759DF, v49;
	v11 =	vmul.f32 $1.442695020e+00, v11;
	v18 =	vsel vm6, v48, v18  }
0xa4: {  	v51 =	vmul.f32 v34, v50;
	(erf) = vrcp.f32 v26;
	v52 =	vadd.f32 $1.000000000e+00, v18  }
0xa5: {  	(erf) = vpow2.f32 v11  }
0xa6: {  	v53 =	vmul.f32 v34, v51;
	(erf) = vrcp.f32 v52;
	_ =	sdelay $0x1  }
0xa7: {  	v11 =	vsub.f32 $1.500000000e+00, v53  }
0xa8: {  	v25 =	vadd.f32 v31, v25;
	v54 =	vsel vm7, $0xFFFFFF82, v2;
	v27 =	vadd.f32 $3.333333430e-01, v27  }
0xa9: {  	v13 =	vmul.f32 v29, v13;
	vm5 =	vmmov vm5;
	v11 =	vmul.f32 v34, v11  }
0xaa: {  	v28 =	vadd.f32 $-1.000000000e+00, v28;
	v19 =	vadd.f32 v19, v19;
	v23 =	vmul.f32 v27, v23  }
0xab: {  	v14 =	vmul.f32 $6.931471820e-01, v14;
	v57 =	vsel vm5, $0x3F800000, v1;
	v55 =	vmul.f32 v11, v50  }
0xac: {  	vm7 =	vgt.f32 v13, $9.499999880e-01;
	v23 =	vadd.f32 $1.000000000e+00, v23;
	v8 =	vmul.f32 v8, v28;
	v56 =	vpop (erf)  }
0xad: {  	v16 =	vadd.f32 v57, v16;
	v18 =	vadd.f32 $-1.000000000e+00, v18;
	v29 =	vmul.f32 v55, v11;
	v58 =	vpop (erf)  }
0xae: {  	vm7 =	vmand vm5, vm7;
	v19 =	vmul.f32 v23, v19;
	v59 =	vmul.f32 v8, v8;
	v60 =	vpop (erf)  }
0xaf: {  	v13 =	vnsel vm7, $0x0, v13;
	v29 =	vsub.f32 $1.500000000e+00, v29;
	v18 =	vmul.f32 v60, v18  }
0xb0: {  	vm7 =	vlt.f32 v12, v7;
	v14 =	vadd.f32 v19, v14;
	v61 =	vmul.f32 $1.428571490e-01, v59  }
0xb1: {  	v26 =	vadd.s32 v30, v54;
	v11 =	vmul.f32 v29, v11;
	v62 =	vmul.f32 v18, v18  }
0xb2: {  	v13 =	vadd.f32 v13, v15;
	v26 =	vcvt.s32.f32 v26;
	v63 =	vadd.f32 $2.000000030e-01, v61  }
0xb3: {  	v14 =	vnsel vm5, $0x0, v14;
	v11 =	vmul.f32 v11, v32;
	v29 =	vmul.f32 $1.428571490e-01, v62  }
0xb4: {  	v28 =	vnsel vm5, $0x0, v24;
	vm5 =	vmmov vm7;
	v12 =	vmul.f32 v63, v59  }
0xb5: {  	v17 =	vadd.f32 v28, v17;
	v11 =	vmul.f32 $-2.000000000e+00, v11;
	v19 =	vadd.f32 $2.000000030e-01, v29  }
0xb6: {  	v15 =	vmul.f32 v14, v28;
	v12 =	vadd.f32 $3.333333430e-01, v12;
	(erf) = vrcp.f32 v10  }
0xb7: {  	v14 =	vadd.f32 v14, v21;
	v11 =	vmul.f32 $1.442695020e+00, v11;
	v19 =	vmul.f32 v19, v62  }
0xb8: {  	v40 =	vsel vm5, $0x3F800000, v1;
	v8 =	vadd.f32 v8, v8;
	v34 =	vmul.f32 v12, v59  }
0xb9: {  	v35 =	vmul.f32 v56, v22;
	(erf) = vpow2.f32 v11;
	v36 =	vadd.f32 $3.333333430e-01, v19  }
0xba: {  	v38 =	vmul.f32 $6.931471820e-01, v26;
	v32 =	vshra.s32 v10, $0x17;
	v10 =	vadd.f32 $1.000000000e+00, v34  }
0xbb: {  	v33 =	vsel vm6, $0xFFFFFF82, v2;
	vm6 =	vgt.f32 v35, $9.499999880e-01;
	v11 =	vmul.f32 v36, v62  }
0xbc: {  	vm6 =	vmand vm5, vm6;
	v37 =	vadd.s32 v32, v33;
	v8 =	vmul.f32 v10, v8  }
0xbd: {  	v39 =	vadd.f32 v18, v18;
	v19 =	vcvt.s32.f32 v37;
	v11 =	vadd.f32 $1.000000000e+00, v11  }
0xbe: {  	v42 =	vadd.f32 v40, v16;
	v15 =	vadd.f32 v15, v25;
	v12 =	vnsel vm6, $0x0, v35  }
0xbf: {  	v8 =	vadd.f32 v8, v38;
	v41 =	vmul.f32 $6.931471820e-01, v19;
	v10 =	vmul.f32 v11, v39  }
0xc0: {  	vm6 =	vlt.f32 v20, v7;
	v12 =	vadd.f32 v12, v13;
	v7 =	vnsel vm5, $0x0, v58;
	v43 =	vpop (erf)  }
0xc1: {  	v9 =	vmul.f32 v43, v9;
	v8 =	vnsel vm5, $0x0, v8;
	v10 =	vadd.f32 v10, v41  }
0xc2: {  	vm5 =	vmmov vm6;
	v44 =	vmul.f32 v8, v7;
	v8 =	vadd.f32 v8, v14;
	v45 =	vpop (erf)  }
0xc3: {  	v46 =	vsel vm5, $0x3F800000, v1;
	v13 =	vnsel vm5, $0x0, v45;
	v10 =	vnsel vm5, $0x0, v10  }
0xc4: {  	v15 =	vadd.f32 v44, v15;
	v11 =	vadd.f32 v46, v42;
	v47 =	vmul.f32 v10, v13  }
0xc5: {  	vm6 =	vgt.f32 v9, $9.499999880e-01;
	v7 =	vadd.f32 v7, v17;
	v8 =	vadd.f32 v10, v8  }
0xc6: {  	v49 =	vperm.xlane v11, v3;
	vm5 =	vmand vm5, vm6;
	v48 =	vadd.f32 v47, v15  }
0xc7: {  	v7 =	vadd.f32 v13, v7;
	v9 =	vnsel vm5, $0x0, v9;
	v50 =	vperm.xlane v8, v3  }
0xc8: {  	v11 =	vadd.f32 v49, v11;
	v9 =	vadd.f32 v9, v12;
	v51 =	vperm.xlane v48, v3  }
0xc9: {  	v52 =	vperm.xlane v7, v3;
	v8 =	vadd.f32 v50, v8  }
0xca: {  	v14 =	vperm.xlane v11, v4;
	v53 =	vperm.xlane v9, v3;
	v10 =	vadd.f32 v51, v48  }
0xcb: {  	v7 =	vadd.f32 v52, v7;
	v54 =	vperm.xlane v8, v4  }
0xcc: {  	v11 =	vadd.f32 v14, v11;
	v9 =	vadd.f32 v53, v9;
	v55 =	vperm.xlane v10, v4  }
0xcd: {  	v56 =	vperm.xlane v7, v4;
	v8 =	vadd.f32 v54, v8  }
0xce: {  	v14 =	vperm.xlane v11, v5;
	v57 =	vperm.xlane v9, v4;
	v10 =	vadd.f32 v55, v10  }
0xcf: {  	v7 =	vadd.f32 v56, v7;
	v15 =	vperm.xlane v8, v5  }
0xd0: {  	v11 =	vadd.f32 v14, v11;
	v9 =	vadd.f32 v57, v9;
	v58 =	vperm.xlane v10, v5  }
0xd1: {  	v59 =	vperm.xlane v7, v5;
	v8 =	vadd.f32 v15, v8  }
0xd2: {  	v14 =	vperm.xlane v11, v6;
	v60 =	vperm.xlane v9, v5;
	v10 =	vadd.f32 v58, v10  }
0xd3: {  	v7 =	vadd.f32 v59, v7;
	v15 =	vperm.xlane v8, v6  }
0xd4: {  	v11 =	vadd.f32 v14, v11;
	v9 =	vadd.f32 v60, v9;
	v61 =	vperm.xlane v10, v6  }
0xd5: {  	v62 =	vperm.xlane v7, v6;
	v8 =	vadd.f32 v15, v8  }
0xd6: {  	v11 =	vnsel vm0, $0x0, v11;
	v63 =	vperm.xlane v9, v6;
	v10 =	vadd.f32 v61, v10  }
0xd7: {  	v7 =	vadd.f32 v62, v7;
	v8 =	vsel vm1, v11, v8  }
0xd8: {  	v9 =	vadd.f32 v63, v9;
	v8 =	vsel vm2, v8, v10  }
0xd9: {  	s15 =	sadd.s32 $0x1, s15;
	v7 =	vsel vm3, v8, v7  }
0xda: {  	p0 =	sne.s32 s15, s8;
	v7 =	vsel vm4, v7, v9  }
.Ltmp1:
0xdb: {  	[tilespmem:$0x2180] =	vst v7;
	(pc) =	sbr.rel @p0 .LBB2_1-.Ltmp1, $4  }
0xdc: {  	[hbm4b:s7+s5] =	stream.linear.scatter [tilespmem:s14], [sflag:$0x2], $0x80, $0x38;
	[tilespmem:$0x2200] =	vst v63  }
0xdd: {  	_ =	swait.ge [sflag:s10], $0x80  }
0xde: {  	[sflag:s10] =	ssyncset.done $0x0  }
0xdf: {  	[sflag:s10] =	ssyncadd.s32 $0xFFFFFF80  }
0xe0: {  	_ =	sfence.sel $0x180000  }
0xe1: {  	[bflag:$0x0] =	sbarrier.arrive $0xFFFF  }
0xe2: {  	p0 =	sne.s32 s0, $0x0;
	_ =	strace $0x90000047  }
0xe3: {  	s0 =	sadd.s32 @!p0 $0x100000, s3;
	[bflag:$0x2] =	sbarrier.arrive $0xFFFF  }
0xe4: {  	[sflag:s0] =	ssyncadd.tile.s32 @!p0 $0x1;
	_ =	shalt  }
.Lfunc_end2:
_tile_overlayer_lowered:
.L_overlay_start_2:
0xe5: {  	(tag) =	ssettag $0x2  }
0xe6: {  	s0 =	rddreg [dreg:$0x0];
	s2 =	stileid.u32  }
0xe7: {  	s1 =	rddreg [dreg:$0x1];
	p0 =	sne.s32 s2, $0x0  }
0xe8: {  	s3 =	rddreg [dreg:$0x2];
	[bflag:$0x3] =	sbarrier.arrive $0xFFFF;
	s2 =	simm.s32 @!p0 $0x1C02  }
0xe9: {  	[timem:s3], [sflag:s2] =	dma.local @!p0 [hbm:s0], s1  }
0xea: {  	s0 =	simm.s32 @!p0 $0x2  }
0xeb: {  	_ =	swait.ge @!p0 [sflag:s0], s1  }
0xec: {  	s1 =	ssub.s32 @!p0 $0x0, s1;
	[sflag:s0] =	ssyncset.done @!p0 $0x0  }
0xed: {  	[sflag:s0] =	ssyncadd.s32 @!p0 s1  }
0xee: {  	[bflag:$0x3] =	sbarrier.arrive $0xFFFF  }
0xef: {  	_ =	shalt  }

</sc_bundles>
